<compile_context>
chip_gen: v7x
topology: tpu7x:2x2x1
jax: 0.10.2.dev20260603
libtpu: 0.0.44.dev20260713+nightly
codegen_flags: <defaults>
</compile_context>

<pallas_src>
import functools

import jax
import jax.numpy as jnp
from jax import lax
from jax.experimental import pallas as pl
from jax.experimental.pallas import tpu as pltpu
from jax.experimental.pallas import tpu_sc as plsc

B = 4096
BI = 1024
GAMMA = 0.9
MARGIN = 1.0

_SC_INFO = plsc.get_sparse_core_info()
_NC = _SC_INFO.num_cores
_NS = _SC_INFO.num_subcores
_TB = B // _NS


def _tc_body(yp_col_ref, yt_col_ref, idx_col_ref, yp_row_ref, idx_row_ref,
             yt_row_ref,
             s1_ref, s2_ref, m_ref, w_ref, npos_ref, nneg_ref,
             yjm_s, idxp_s, cnt_s, mneg_s):
    @pl.when(pl.program_id(0) == 0)
    def _():
        yj = yp_col_ref[...]
        ytj = yt_col_ref[...]
        yjm = jnp.where(ytj == 0, yj, -1e30)
        yjm_s[...] = yjm * jnp.float32(1.2011224087864498)
        idxp_s[...] = jnp.where(ytj == 1, idx_col_ref[...], -1)
        ytr = yt_row_ref[...]
        npos = jnp.sum(jnp.where(ytr == 1, 1.0, 0.0))
        nneg = jnp.sum(jnp.where(ytr == 0, 1.0, 0.0))
        npos_ref[...] = jnp.full((1, 128), npos, jnp.float32)
        nneg_ref[...] = jnp.full((1, 128), nneg, jnp.float32)
        cnt_s[...] = jnp.full((1, 128), npos, jnp.float32)
        mneg_s[...] = jnp.full((1, 128), jnp.max(yjm), jnp.float32)

    yjm = yjm_s[...]
    idxp = idxp_s[...]
    yi = yp_row_ref[...]
    idxi = idx_row_ref[...]
    npos = cnt_s[0, 0]
    maxneg = mneg_s[0, 0]

    RT = jnp.float32(1.2011224087864498)
    L2E = jnp.float32(1.4426950408889634)
    yim = MARGIN - yi
    hm = jnp.maximum(yim + maxneg, 0.0)
    msq = hm * hm
    m_ref[...] = msq
    msqL = msq * L2E
    yimL = yim * RT
    hnL = jnp.maximum(yimL + yjm, 0.0)
    hnsqL = hnL * hnL
    e = jnp.exp2(hnsqL - msqL)
    s1_ref[...] = (jnp.sum(e, axis=0, keepdims=True)
                   - npos * jnp.exp(-msq))
    s2_ref[...] = jnp.sum(e * hnsqL, axis=0, keepdims=True) * (1.0 / L2E)

    jiota = lax.broadcasted_iota(jnp.int32, (B, BI), 0).astype(jnp.float32)
    wf = jnp.max(jnp.where(idxp == idxi, jiota, 0.0), axis=0, keepdims=True)
    w_ref[...] = wf.astype(jnp.int32)


def _tc_pass(yp_col, yt_col, idx_col, yp_row, idx_row, yt_row):
    full = lambda i: (0, 0)
    blk = lambda i: (0, i)
    return pl.pallas_call(
        _tc_body,
        grid=(B // BI,),
        in_specs=[
            pl.BlockSpec((B, 1), full),
            pl.BlockSpec((B, 1), full),
            pl.BlockSpec((B, 1), full),
            pl.BlockSpec((1, BI), blk),
            pl.BlockSpec((1, BI), blk),
            pl.BlockSpec((1, B), full),
        ],
        out_specs=[pl.BlockSpec((1, BI), blk)] * 4 + [pl.BlockSpec((1, 128), full)] * 2,
        out_shape=[
            jax.ShapeDtypeStruct((1, B), jnp.float32),
            jax.ShapeDtypeStruct((1, B), jnp.float32),
            jax.ShapeDtypeStruct((1, B), jnp.float32),
            jax.ShapeDtypeStruct((1, B), jnp.int32),
            jax.ShapeDtypeStruct((1, 128), jnp.float32),
            jax.ShapeDtypeStruct((1, 128), jnp.float32),
        ],
        scratch_shapes=[
            pltpu.VMEM((B, 1), jnp.float32),
            pltpu.VMEM((B, 1), jnp.int32),
            pltpu.VMEM((1, 128), jnp.float32),
            pltpu.VMEM((1, 128), jnp.float32),
        ],
    )(yp_col, yt_col, idx_col, yp_row, idx_row, yt_row)


_MESH = plsc.VectorSubcoreMesh(core_axis_name="c", subcore_axis_name="s", num_cores=1)


@functools.partial(
    pl.kernel,
    mesh=_MESH,
    out_type=jax.ShapeDtypeStruct((16,), jnp.float32),
    scratch_types=[
        pltpu.VMEM((_TB,), jnp.int32),
        pltpu.VMEM((_TB,), jnp.int32),
        pltpu.VMEM((_TB,), jnp.int32),
        pltpu.VMEM((_TB,), jnp.float32),
        pltpu.VMEM((_TB,), jnp.float32),
        pltpu.VMEM((_TB,), jnp.float32),
        pltpu.VMEM((_TB,), jnp.float32),
        pltpu.VMEM((_TB,), jnp.float32),
        pltpu.VMEM((128,), jnp.float32),
        pltpu.VMEM((128,), jnp.float32),
        pltpu.VMEM((16,), jnp.float32),
        pltpu.VMEM((16,), jnp.int32),
        pltpu.VMEM((16,), jnp.float32),
        pltpu.VMEM((16,), jnp.float32),
        pltpu.VMEM_SHARED((16,), jnp.float32),
        pltpu.SemaphoreType.DMA,
    ],
)
def _sc_combine(u_hbm, idx_hbm, w_hbm, yt_hbm, s1_hbm, s2_hbm, m_hbm,
                npos_hbm, nneg_hbm, out_hbm,
                idx_v, wv_v, yt_v, s2_v, m_v, g_v, s1w_v, mw_v,
                np_v, nn_v, acc_v, zid_v, zf_v, out_v, red_sh, sem):
    cid = lax.axis_index("c")
    sid = lax.axis_index("s")
    wid = sid * _NC + cid

    @pl.when(wid == 0)
    def _():
        zf_v[...] = jnp.zeros((16,), jnp.float32)
        pltpu.sync_copy(zf_v, red_sh)

    plsc.subcore_barrier()

    @pl.when(cid == 0)
    def _():
        base = sid * _TB
        sl_own = pl.ds(base, _TB)
        pltpu.sync_copy(idx_hbm.at[sl_own], idx_v)
        pltpu.sync_copy(w_hbm.at[sl_own], wv_v)
        lo, hi = pl.ds(0, 128), pl.ds(128, 128)
        h1 = pltpu.async_copy(u_hbm.at[idx_v.at[lo]], g_v.at[lo], sem)
        h2 = pltpu.async_copy(u_hbm.at[idx_v.at[hi]], g_v.at[hi], sem)
        h3 = pltpu.async_copy(s1_hbm.at[wv_v.at[lo]], s1w_v.at[lo], sem)
        h4 = pltpu.async_copy(s1_hbm.at[wv_v.at[hi]], s1w_v.at[hi], sem)
        h5 = pltpu.async_copy(m_hbm.at[wv_v.at[lo]], mw_v.at[lo], sem)
        h6 = pltpu.async_copy(m_hbm.at[wv_v.at[hi]], mw_v.at[hi], sem)
        pltpu.sync_copy(yt_hbm.at[sl_own], yt_v)
        pltpu.sync_copy(s2_hbm.at[sl_own], s2_v)
        pltpu.sync_copy(m_hbm.at[sl_own], m_v)
        pltpu.sync_copy(npos_hbm, np_v)
        pltpu.sync_copy(nneg_hbm, nn_v)
        h1.wait(); h2.wait(); h3.wait(); h4.wait(); h5.wait(); h6.wait()

        coef = GAMMA / nn_v[pl.ds(0, 16)]

        def loss_body(k, acc):
            sl = pl.ds(k * 16, 16)
            denom = ((1.0 - GAMMA) * g_v[sl] * jnp.exp(-m_v[sl])
                     + coef * s1w_v[sl] * jnp.exp(mw_v[sl] - m_v[sl]))
            term = s2_v[sl] / denom
            return acc + jnp.where(yt_v[sl] == 1, term, 0.0)

        acc = lax.fori_loop(0, _TB // 16, loss_body,
                            jnp.zeros((16,), jnp.float32))
        acc_v[...] = acc
        zid_v[...] = jnp.zeros((16,), jnp.int32)
        pltpu.sync_copy(acc_v, red_sh.at[zid_v], add=True)

    plsc.subcore_barrier()

    @pl.when(wid == 0)
    def _():
        pltpu.sync_copy(red_sh, zf_v)
        npos = np_v[pl.ds(0, 16)]
        nneg = nn_v[pl.ds(0, 16)]
        out_v[...] = zf_v[...] / (npos * nneg)
        pltpu.sync_copy(out_v, out_hbm)


def kernel(y_pred, y_true, index, u_pos):
    yp = y_pred.reshape(B).astype(jnp.float32)
    yt = y_true.reshape(B).astype(jnp.int32)
    idx = index.reshape(B).astype(jnp.int32)
    up = u_pos.reshape(-1)

    s1, s2, m, w, npos, nneg = _tc_pass(
        yp.reshape(B, 1), yt.reshape(B, 1), idx.reshape(B, 1),
        yp.reshape(1, B), idx.reshape(1, B), yt.reshape(1, B))

    out16 = _sc_combine(up, idx, w.reshape(B), yt, s1.reshape(B),
                        s2.reshape(B), m.reshape(B),
                        npos.reshape(128), nneg.reshape(128))
    return out16[0]

# --- scband reference (transcript-rebuilt; emitter-appended) ---
"""Pipeline reference for scband-p-auc-dro-loss-27384711479730 (READ-ONLY COPY).

The authoritative reference and input builder live on the scoring server;
editing this copy changes nothing except your own understanding.
"""

import jax, jax.numpy as jnp
import numpy as np

DATA_LEN = 1000000
GAMMA = 0.9
MARGIN = 1.0
LAMBDA = 1.0
BATCH = 4096


def setup_inputs(seed: int = 0) -> dict:
    key = jax.random.key(seed)
    k1, k2, k3 = jax.random.split(key, 3)
    y_pred = jax.random.normal(k1, (BATCH, 1), dtype=jnp.float32)
    y_true = jax.random.randint(k2, (BATCH, 1), 0, 2)
    index = jax.random.randint(k3, (BATCH,), 0, DATA_LEN)
    # internal moving-average state buffer (registered buffer in the torch module)
    u_pos = jnp.zeros((DATA_LEN, 1), dtype=jnp.float32)
    return {"y_pred": y_pred, "y_true": y_true, "index": index, "u_pos": u_pos}


def reference(y_pred, y_true, index, u_pos):
    y_pred = y_pred.reshape(-1, 1)
    y_true = y_true.reshape(-1, 1)
    index = index.reshape(-1)
    yt = y_true.reshape(-1)
    pos_mask = (yt == 1)
    neg_mask = (yt == 0)
    n_pos = jnp.sum(pos_mask.astype(jnp.float32))
    n_neg = jnp.sum(neg_mask.astype(jnp.float32))
    pair_mask = pos_mask[:, None] & neg_mask[None, :]
    t = y_pred - y_pred.reshape(-1)[None, :]        # [B, B] pairwise diffs
    surr_loss = jnp.where(pair_mask, jnp.maximum(MARGIN - t, 0.0) ** 2, 0.0)
    exp_loss = jnp.where(pair_mask, jnp.exp(surr_loss / LAMBDA), 0.0)
    mean_exp = jnp.sum(exp_loss, axis=1, keepdims=True) / n_neg  # [B, 1]
    scatter_idx = jnp.where(pos_mask, index, DATA_LEN)
    u_ext = jnp.concatenate([u_pos, jnp.zeros((1, 1), dtype=u_pos.dtype)], axis=0)
    new_vals = (1.0 - GAMMA) * u_ext[scatter_idx] + GAMMA * mean_exp
    u_new = u_ext.at[scatter_idx].set(new_vals)     # scatter-overwrite into state
    denom = u_new[scatter_idx]                      # gather updated state
    p = jnp.where(pair_mask, exp_loss / denom, 0.0)
    loss = jnp.sum(p * surr_loss) / (n_pos * n_neg)
    return loss

if __name__ == "__main__":
    import jax
    _d = setup_inputs()
    print(jax.jit(kernel)(*tuple(_d.values())))

</pallas_src>

<mosaic_0001>
#map = affine_map<(d0, d1) -> (0)>
module attributes {stable_mosaic.version = 14 : i64} {
  func.func @_sc_combine(%arg0: i32, %arg1: i32, %arg2: memref<1000000xf32, #tpu.memory_space<hbm>>, %arg3: memref<4096xi32, #tpu.memory_space<hbm>>, %arg4: memref<4096xi32, #tpu.memory_space<hbm>>, %arg5: memref<4096xi32, #tpu.memory_space<hbm>>, %arg6: memref<4096xf32, #tpu.memory_space<hbm>>, %arg7: memref<4096xf32, #tpu.memory_space<hbm>>, %arg8: memref<4096xf32, #tpu.memory_space<hbm>>, %arg9: memref<128xf32, #tpu.memory_space<hbm>>, %arg10: memref<128xf32, #tpu.memory_space<hbm>>, %arg11: memref<16xf32, #tpu.memory_space<hbm>>, %arg12: memref<256xi32, #tpu.memory_space<vmem>>, %arg13: memref<256xi32, #tpu.memory_space<vmem>>, %arg14: memref<256xi32, #tpu.memory_space<vmem>>, %arg15: memref<256xf32, #tpu.memory_space<vmem>>, %arg16: memref<256xf32, #tpu.memory_space<vmem>>, %arg17: memref<256xf32, #tpu.memory_space<vmem>>, %arg18: memref<256xf32, #tpu.memory_space<vmem>>, %arg19: memref<256xf32, #tpu.memory_space<vmem>>, %arg20: memref<128xf32, #tpu.memory_space<vmem>>, %arg21: memref<128xf32, #tpu.memory_space<vmem>>, %arg22: memref<16xf32, #tpu.memory_space<vmem>>, %arg23: memref<16xi32, #tpu.memory_space<vmem>>, %arg24: memref<16xf32, #tpu.memory_space<vmem>>, %arg25: memref<16xf32, #tpu.memory_space<vmem>>, %arg26: memref<16xf32, #tpu.memory_space<vmem_shared>>, %arg27: memref<!tpu.dma_semaphore, #tpu.memory_space<semaphore_mem>>) attributes {dimension_semantics = [#tpu.dimension_semantics<core_parallel>, #tpu.dimension_semantics<subcore_parallel>], iteration_bounds = array<i64: 1, 16>, scalar_prefetch = 0 : i64, scratch_operands = 16 : i64, tpu.core_type = #tpu.core_type<sc_vector_subcore>, window_params = [{transform_indices = #map}, {transform_indices = #map}, {transform_indices = #map}, {transform_indices = #map}, {transform_indices = #map}, {transform_indices = #map}, {transform_indices = #map}, {transform_indices = #map}, {transform_indices = #map}, {transform_indices = #map}]} {
    %mul3A = arith.constant 2 : i32
    %mul3A_0 = arith.muli %arg1, %mul3A : i32
    %add3A = arith.addi %mul3A_0, %arg0 : i32
    %eq3A = arith.constant 0 : i32
    %eq3A_1 = arith.cmpi eq, %add3A, %eq3A : i32
    %convert_element_type3A = arith.extui %eq3A_1 : i1 to i32
    %cond3A = arith.constant 0 : i32
    %cond3A_2 = arith.cmpi ne, %convert_element_type3A, %cond3A : i32
    scf.if %cond3A_2 {
      %broadcast_in_dim3A = arith.constant 0.000000e+00 : f32
      %broadcast_in_dim3A_14 = vector.broadcast %broadcast_in_dim3A : f32 to vector<16xf32>
      %swap3A = arith.constant 0 : index
      %swap3A_15 = tpu.vector_load %arg24[%swap3A] {strides = array<i32>} : memref<16xf32, #tpu.memory_space<vmem>>, vector<16xf32>,
      %swap3A_16 = vector.shape_cast %swap3A_15 : vector<16xf32> to vector<16xf32>
      %swap3A_17 = vector.shape_cast %broadcast_in_dim3A_14 : vector<16xf32> to vector<16xf32>
      tpu.vector_store %arg24[%swap3A], %swap3A_17 {strides = array<i32>} : memref<16xf32, #tpu.memory_space<vmem>>, vector<16xf32>,
      "tpu.region"() ({
        %run_scoped3A = tpu.sem_alloc : memref<!tpu.dma_semaphore, #tpu.memory_space<semaphore_mem>>
        tpu.enqueue_dma source(%arg24 : memref<16xf32, #tpu.memory_space<vmem>>) target(%arg26 : memref<16xf32, #tpu.memory_space<vmem_shared>>) target_semaphore(%run_scoped3A : memref<!tpu.dma_semaphore, #tpu.memory_space<semaphore_mem>>)
        tpu.wait_dma2 semaphore(%run_scoped3A : memref<!tpu.dma_semaphore, #tpu.memory_space<semaphore_mem>>) src(%arg24 : memref<16xf32, #tpu.memory_space<vmem>>) dst(%arg26 : memref<16xf32, #tpu.memory_space<vmem_shared>>)
        tpu.yield
      }) : () -> ()
    } else {
    }
    %barrier3A = arith.constant 0 : index
    tpu.barrier barrier_id(%barrier3A)
    %eq3A_3 = arith.constant 0 : i32
    %eq3A_4 = arith.cmpi eq, %arg0, %eq3A_3 : i32
    %convert_element_type3A_5 = arith.extui %eq3A_4 : i1 to i32
    %cond3A_6 = arith.constant 0 : i32
    %cond3A_7 = arith.cmpi ne, %convert_element_type3A_5, %cond3A_6 : i32
    scf.if %cond3A_7 {
      %mul3A_14 = arith.constant 256 : i32
      %mul3A_15 = arith.muli %arg1, %mul3A_14 : i32
      "tpu.region"() ({
        %run_scoped3A = tpu.sem_alloc : memref<!tpu.dma_semaphore, #tpu.memory_space<semaphore_mem>>
        %dma_start3A_105 = tpu.memref_slice %arg3[%mul3A_15] : memref<4096xi32, #tpu.memory_space<hbm>> -> memref<256xi32, #tpu.memory_space<hbm>>
        %dma_start3A_106 = tpu.memref_slice %arg3[%mul3A_15] : memref<4096xi32, #tpu.memory_space<hbm>> -> memref<256xi32, #tpu.memory_space<hbm>>
        tpu.enqueue_dma source(%dma_start3A_106 : memref<256xi32, #tpu.memory_space<hbm>>) target(%arg12 : memref<256xi32, #tpu.memory_space<vmem>>) target_semaphore(%run_scoped3A : memref<!tpu.dma_semaphore, #tpu.memory_space<semaphore_mem>>)
        %dma_wait3A_107 = tpu.memref_slice %arg3[%mul3A_15] : memref<4096xi32, #tpu.memory_space<hbm>> -> memref<256xi32, #tpu.memory_space<hbm>>
        %dma_wait3A_108 = tpu.memref_slice %arg3[%mul3A_15] : memref<4096xi32, #tpu.memory_space<hbm>> -> memref<256xi32, #tpu.memory_space<hbm>>
        tpu.wait_dma2 semaphore(%run_scoped3A : memref<!tpu.dma_semaphore, #tpu.memory_space<semaphore_mem>>) src(%dma_wait3A_108 : memref<256xi32, #tpu.memory_space<hbm>>) dst(%arg12 : memref<256xi32, #tpu.memory_space<vmem>>)
        tpu.yield
      }) : () -> ()
      "tpu.region"() ({
        %run_scoped3A = tpu.sem_alloc : memref<!tpu.dma_semaphore, #tpu.memory_space<semaphore_mem>>
        %dma_start3A_105 = tpu.memref_slice %arg4[%mul3A_15] : memref<4096xi32, #tpu.memory_space<hbm>> -> memref<256xi32, #tpu.memory_space<hbm>>
        %dma_start3A_106 = tpu.memref_slice %arg4[%mul3A_15] : memref<4096xi32, #tpu.memory_space<hbm>> -> memref<256xi32, #tpu.memory_space<hbm>>
        tpu.enqueue_dma source(%dma_start3A_106 : memref<256xi32, #tpu.memory_space<hbm>>) target(%arg13 : memref<256xi32, #tpu.memory_space<vmem>>) target_semaphore(%run_scoped3A : memref<!tpu.dma_semaphore, #tpu.memory_space<semaphore_mem>>)
        %dma_wait3A_107 = tpu.memref_slice %arg4[%mul3A_15] : memref<4096xi32, #tpu.memory_space<hbm>> -> memref<256xi32, #tpu.memory_space<hbm>>
        %dma_wait3A_108 = tpu.memref_slice %arg4[%mul3A_15] : memref<4096xi32, #tpu.memory_space<hbm>> -> memref<256xi32, #tpu.memory_space<hbm>>
        tpu.wait_dma2 semaphore(%run_scoped3A : memref<!tpu.dma_semaphore, #tpu.memory_space<semaphore_mem>>) src(%dma_wait3A_108 : memref<256xi32, #tpu.memory_space<hbm>>) dst(%arg13 : memref<256xi32, #tpu.memory_space<vmem>>)
        tpu.yield
      }) : () -> ()
      %dma_start3A = arith.constant 0 : i32
      %dma_start3A_16 = tpu.memref_slice %arg17[%dma_start3A] : memref<256xf32, #tpu.memory_space<vmem>> -> memref<128xf32, #tpu.memory_space<vmem>>
      %dma_start3A_17 = arith.constant 0 : i32
      %dma_start3A_18 = tpu.memref_slice %arg12[%dma_start3A_17] : memref<256xi32, #tpu.memory_space<vmem>> -> memref<128xi32, #tpu.memory_space<vmem>>
      %dma_start3A_19 = arith.constant 0 : i32
      %dma_start3A_20 = tpu.memref_slice %arg2[%dma_start3A_19] : memref<1000000xf32, #tpu.memory_space<hbm>> -> memref<1000000xf32, #tpu.memory_space<hbm>>
      tpu.enqueue_indirect_dma source(%dma_start3A_20 : memref<1000000xf32, #tpu.memory_space<hbm>>) target(%dma_start3A_16 : memref<128xf32, #tpu.memory_space<vmem>>) offsets(%dma_start3A_18 : memref<128xi32, #tpu.memory_space<vmem>>) semaphore(%arg27 : memref<!tpu.dma_semaphore, #tpu.memory_space<semaphore_mem>>)
      %dma_start3A_21 = arith.constant 128 : i32
      %dma_start3A_22 = tpu.memref_slice %arg17[%dma_start3A_21] : memref<256xf32, #tpu.memory_space<vmem>> -> memref<128xf32, #tpu.memory_space<vmem>>
      %dma_start3A_23 = arith.constant 128 : i32
      %dma_start3A_24 = tpu.memref_slice %arg12[%dma_start3A_23] : memref<256xi32, #tpu.memory_space<vmem>> -> memref<128xi32, #tpu.memory_space<vmem>>
      %dma_start3A_25 = arith.constant 0 : i32
      %dma_start3A_26 = tpu.memref_slice %arg2[%dma_start3A_25] : memref<1000000xf32, #tpu.memory_space<hbm>> -> memref<1000000xf32, #tpu.memory_space<hbm>>
      tpu.enqueue_indirect_dma source(%dma_start3A_26 : memref<1000000xf32, #tpu.memory_space<hbm>>) target(%dma_start3A_22 : memref<128xf32, #tpu.memory_space<vmem>>) offsets(%dma_start3A_24 : memref<128xi32, #tpu.memory_space<vmem>>) semaphore(%arg27 : memref<!tpu.dma_semaphore, #tpu.memory_space<semaphore_mem>>)
      %dma_start3A_27 = arith.constant 0 : i32
      %dma_start3A_28 = tpu.memref_slice %arg18[%dma_start3A_27] : memref<256xf32, #tpu.memory_space<vmem>> -> memref<128xf32, #tpu.memory_space<vmem>>
      %dma_start3A_29 = arith.constant 0 : i32
      %dma_start3A_30 = tpu.memref_slice %arg13[%dma_start3A_29] : memref<256xi32, #tpu.memory_space<vmem>> -> memref<128xi32, #tpu.memory_space<vmem>>
      %dma_start3A_31 = arith.constant 0 : i32
      %dma_start3A_32 = tpu.memref_slice %arg6[%dma_start3A_31] : memref<4096xf32, #tpu.memory_space<hbm>> -> memref<4096xf32, #tpu.memory_space<hbm>>
      tpu.enqueue_indirect_dma source(%dma_start3A_32 : memref<4096xf32, #tpu.memory_space<hbm>>) target(%dma_start3A_28 : memref<128xf32, #tpu.memory_space<vmem>>) offsets(%dma_start3A_30 : memref<128xi32, #tpu.memory_space<vmem>>) semaphore(%arg27 : memref<!tpu.dma_semaphore, #tpu.memory_space<semaphore_mem>>)
      %dma_start3A_33 = arith.constant 128 : i32
      %dma_start3A_34 = tpu.memref_slice %arg18[%dma_start3A_33] : memref<256xf32, #tpu.memory_space<vmem>> -> memref<128xf32, #tpu.memory_space<vmem>>
      %dma_start3A_35 = arith.constant 128 : i32
      %dma_start3A_36 = tpu.memref_slice %arg13[%dma_start3A_35] : memref<256xi32, #tpu.memory_space<vmem>> -> memref<128xi32, #tpu.memory_space<vmem>>
      %dma_start3A_37 = arith.constant 0 : i32
      %dma_start3A_38 = tpu.memref_slice %arg6[%dma_start3A_37] : memref<4096xf32, #tpu.memory_space<hbm>> -> memref<4096xf32, #tpu.memory_space<hbm>>
      tpu.enqueue_indirect_dma source(%dma_start3A_38 : memref<4096xf32, #tpu.memory_space<hbm>>) target(%dma_start3A_34 : memref<128xf32, #tpu.memory_space<vmem>>) offsets(%dma_start3A_36 : memref<128xi32, #tpu.memory_space<vmem>>) semaphore(%arg27 : memref<!tpu.dma_semaphore, #tpu.memory_space<semaphore_mem>>)
      %dma_start3A_39 = arith.constant 0 : i32
      %dma_start3A_40 = tpu.memref_slice %arg19[%dma_start3A_39] : memref<256xf32, #tpu.memory_space<vmem>> -> memref<128xf32, #tpu.memory_space<vmem>>
      %dma_start3A_41 = arith.constant 0 : i32
      %dma_start3A_42 = tpu.memref_slice %arg13[%dma_start3A_41] : memref<256xi32, #tpu.memory_space<vmem>> -> memref<128xi32, #tpu.memory_space<vmem>>
      %dma_start3A_43 = arith.constant 0 : i32
      %dma_start3A_44 = tpu.memref_slice %arg8[%dma_start3A_43] : memref<4096xf32, #tpu.memory_space<hbm>> -> memref<4096xf32, #tpu.memory_space<hbm>>
      tpu.enqueue_indirect_dma source(%dma_start3A_44 : memref<4096xf32, #tpu.memory_space<hbm>>) target(%dma_start3A_40 : memref<128xf32, #tpu.memory_space<vmem>>) offsets(%dma_start3A_42 : memref<128xi32, #tpu.memory_space<vmem>>) semaphore(%arg27 : memref<!tpu.dma_semaphore, #tpu.memory_space<semaphore_mem>>)
      %dma_start3A_45 = arith.constant 128 : i32
      %dma_start3A_46 = tpu.memref_slice %arg19[%dma_start3A_45] : memref<256xf32, #tpu.memory_space<vmem>> -> memref<128xf32, #tpu.memory_space<vmem>>
      %dma_start3A_47 = arith.constant 128 : i32
      %dma_start3A_48 = tpu.memref_slice %arg13[%dma_start3A_47] : memref<256xi32, #tpu.memory_space<vmem>> -> memref<128xi32, #tpu.memory_space<vmem>>
      %dma_start3A_49 = arith.constant 0 : i32
      %dma_start3A_50 = tpu.memref_slice %arg8[%dma_start3A_49] : memref<4096xf32, #tpu.memory_space<hbm>> -> memref<4096xf32, #tpu.memory_space<hbm>>
      tpu.enqueue_indirect_dma source(%dma_start3A_50 : memref<4096xf32, #tpu.memory_space<hbm>>) target(%dma_start3A_46 : memref<128xf32, #tpu.memory_space<vmem>>) offsets(%dma_start3A_48 : memref<128xi32, #tpu.memory_space<vmem>>) semaphore(%arg27 : memref<!tpu.dma_semaphore, #tpu.memory_space<semaphore_mem>>)
      "tpu.region"() ({
        %run_scoped3A = tpu.sem_alloc : memref<!tpu.dma_semaphore, #tpu.memory_space<semaphore_mem>>
        %dma_start3A_105 = tpu.memref_slice %arg5[%mul3A_15] : memref<4096xi32, #tpu.memory_space<hbm>> -> memref<256xi32, #tpu.memory_space<hbm>>
        %dma_start3A_106 = tpu.memref_slice %arg5[%mul3A_15] : memref<4096xi32, #tpu.memory_space<hbm>> -> memref<256xi32, #tpu.memory_space<hbm>>
        tpu.enqueue_dma source(%dma_start3A_106 : memref<256xi32, #tpu.memory_space<hbm>>) target(%arg14 : memref<256xi32, #tpu.memory_space<vmem>>) target_semaphore(%run_scoped3A : memref<!tpu.dma_semaphore, #tpu.memory_space<semaphore_mem>>)
        %dma_wait3A_107 = tpu.memref_slice %arg5[%mul3A_15] : memref<4096xi32, #tpu.memory_space<hbm>> -> memref<256xi32, #tpu.memory_space<hbm>>
        %dma_wait3A_108 = tpu.memref_slice %arg5[%mul3A_15] : memref<4096xi32, #tpu.memory_space<hbm>> -> memref<256xi32, #tpu.memory_space<hbm>>
        tpu.wait_dma2 semaphore(%run_scoped3A : memref<!tpu.dma_semaphore, #tpu.memory_space<semaphore_mem>>) src(%dma_wait3A_108 : memref<256xi32, #tpu.memory_space<hbm>>) dst(%arg14 : memref<256xi32, #tpu.memory_space<vmem>>)
        tpu.yield
      }) : () -> ()
      "tpu.region"() ({
        %run_scoped3A = tpu.sem_alloc : memref<!tpu.dma_semaphore, #tpu.memory_space<semaphore_mem>>
        %dma_start3A_105 = tpu.memref_slice %arg7[%mul3A_15] : memref<4096xf32, #tpu.memory_space<hbm>> -> memref<256xf32, #tpu.memory_space<hbm>>
        %dma_start3A_106 = tpu.memref_slice %arg7[%mul3A_15] : memref<4096xf32, #tpu.memory_space<hbm>> -> memref<256xf32, #tpu.memory_space<hbm>>
        tpu.enqueue_dma source(%dma_start3A_106 : memref<256xf32, #tpu.memory_space<hbm>>) target(%arg15 : memref<256xf32, #tpu.memory_space<vmem>>) target_semaphore(%run_scoped3A : memref<!tpu.dma_semaphore, #tpu.memory_space<semaphore_mem>>)
        %dma_wait3A_107 = tpu.memref_slice %arg7[%mul3A_15] : memref<4096xf32, #tpu.memory_space<hbm>> -> memref<256xf32, #tpu.memory_space<hbm>>
        %dma_wait3A_108 = tpu.memref_slice %arg7[%mul3A_15] : memref<4096xf32, #tpu.memory_space<hbm>> -> memref<256xf32, #tpu.memory_space<hbm>>
        tpu.wait_dma2 semaphore(%run_scoped3A : memref<!tpu.dma_semaphore, #tpu.memory_space<semaphore_mem>>) src(%dma_wait3A_108 : memref<256xf32, #tpu.memory_space<hbm>>) dst(%arg15 : memref<256xf32, #tpu.memory_space<vmem>>)
        tpu.yield
      }) : () -> ()
      "tpu.region"() ({
        %run_scoped3A = tpu.sem_alloc : memref<!tpu.dma_semaphore, #tpu.memory_space<semaphore_mem>>
        %dma_start3A_105 = tpu.memref_slice %arg8[%mul3A_15] : memref<4096xf32, #tpu.memory_space<hbm>> -> memref<256xf32, #tpu.memory_space<hbm>>
        %dma_start3A_106 = tpu.memref_slice %arg8[%mul3A_15] : memref<4096xf32, #tpu.memory_space<hbm>> -> memref<256xf32, #tpu.memory_space<hbm>>
        tpu.enqueue_dma source(%dma_start3A_106 : memref<256xf32, #tpu.memory_space<hbm>>) target(%arg16 : memref<256xf32, #tpu.memory_space<vmem>>) target_semaphore(%run_scoped3A : memref<!tpu.dma_semaphore, #tpu.memory_space<semaphore_mem>>)
        %dma_wait3A_107 = tpu.memref_slice %arg8[%mul3A_15] : memref<4096xf32, #tpu.memory_space<hbm>> -> memref<256xf32, #tpu.memory_space<hbm>>
        %dma_wait3A_108 = tpu.memref_slice %arg8[%mul3A_15] : memref<4096xf32, #tpu.memory_space<hbm>> -> memref<256xf32, #tpu.memory_space<hbm>>
        tpu.wait_dma2 semaphore(%run_scoped3A : memref<!tpu.dma_semaphore, #tpu.memory_space<semaphore_mem>>) src(%dma_wait3A_108 : memref<256xf32, #tpu.memory_space<hbm>>) dst(%arg16 : memref<256xf32, #tpu.memory_space<vmem>>)
        tpu.yield
      }) : () -> ()
      "tpu.region"() ({
        %run_scoped3A = tpu.sem_alloc : memref<!tpu.dma_semaphore, #tpu.memory_space<semaphore_mem>>
        tpu.enqueue_dma source(%arg9 : memref<128xf32, #tpu.memory_space<hbm>>) target(%arg20 : memref<128xf32, #tpu.memory_space<vmem>>) target_semaphore(%run_scoped3A : memref<!tpu.dma_semaphore, #tpu.memory_space<semaphore_mem>>)
        tpu.wait_dma2 semaphore(%run_scoped3A : memref<!tpu.dma_semaphore, #tpu.memory_space<semaphore_mem>>) src(%arg9 : memref<128xf32, #tpu.memory_space<hbm>>) dst(%arg20 : memref<128xf32, #tpu.memory_space<vmem>>)
        tpu.yield
      }) : () -> ()
      "tpu.region"() ({
        %run_scoped3A = tpu.sem_alloc : memref<!tpu.dma_semaphore, #tpu.memory_space<semaphore_mem>>
        tpu.enqueue_dma source(%arg10 : memref<128xf32, #tpu.memory_space<hbm>>) target(%arg21 : memref<128xf32, #tpu.memory_space<vmem>>) target_semaphore(%run_scoped3A : memref<!tpu.dma_semaphore, #tpu.memory_space<semaphore_mem>>)
        tpu.wait_dma2 semaphore(%run_scoped3A : memref<!tpu.dma_semaphore, #tpu.memory_space<semaphore_mem>>) src(%arg10 : memref<128xf32, #tpu.memory_space<hbm>>) dst(%arg21 : memref<128xf32, #tpu.memory_space<vmem>>)
        tpu.yield
      }) : () -> ()
      %dma_wait3A = arith.constant 0 : i32
      %dma_wait3A_51 = tpu.memref_slice %arg17[%dma_wait3A] : memref<256xf32, #tpu.memory_space<vmem>> -> memref<128xf32, #tpu.memory_space<vmem>>
      %dma_wait3A_52 = arith.constant 0 : i32
      %dma_wait3A_53 = tpu.memref_slice %arg12[%dma_wait3A_52] : memref<256xi32, #tpu.memory_space<vmem>> -> memref<128xi32, #tpu.memory_space<vmem>>
      %dma_wait3A_54 = arith.constant 0 : i32
      %dma_wait3A_55 = tpu.memref_slice %arg2[%dma_wait3A_54] : memref<1000000xf32, #tpu.memory_space<hbm>> -> memref<1000000xf32, #tpu.memory_space<hbm>>
      tpu.wait_indirect_dma semaphore(%arg27 : memref<!tpu.dma_semaphore, #tpu.memory_space<semaphore_mem>>) src(%dma_wait3A_55 : memref<1000000xf32, #tpu.memory_space<hbm>>) dst(%dma_wait3A_51 : memref<128xf32, #tpu.memory_space<vmem>>)
      %dma_wait3A_56 = arith.constant 128 : i32
      %dma_wait3A_57 = tpu.memref_slice %arg17[%dma_wait3A_56] : memref<256xf32, #tpu.memory_space<vmem>> -> memref<128xf32, #tpu.memory_space<vmem>>
      %dma_wait3A_58 = arith.constant 128 : i32
      %dma_wait3A_59 = tpu.memref_slice %arg12[%dma_wait3A_58] : memref<256xi32, #tpu.memory_space<vmem>> -> memref<128xi32, #tpu.memory_space<vmem>>
      %dma_wait3A_60 = arith.constant 0 : i32
      %dma_wait3A_61 = tpu.memref_slice %arg2[%dma_wait3A_60] : memref<1000000xf32, #tpu.memory_space<hbm>> -> memref<1000000xf32, #tpu.memory_space<hbm>>
      tpu.wait_indirect_dma semaphore(%arg27 : memref<!tpu.dma_semaphore, #tpu.memory_space<semaphore_mem>>) src(%dma_wait3A_61 : memref<1000000xf32, #tpu.memory_space<hbm>>) dst(%dma_wait3A_57 : memref<128xf32, #tpu.memory_space<vmem>>)
      %dma_wait3A_62 = arith.constant 0 : i32
      %dma_wait3A_63 = tpu.memref_slice %arg18[%dma_wait3A_62] : memref<256xf32, #tpu.memory_space<vmem>> -> memref<128xf32, #tpu.memory_space<vmem>>
      %dma_wait3A_64 = arith.constant 0 : i32
      %dma_wait3A_65 = tpu.memref_slice %arg13[%dma_wait3A_64] : memref<256xi32, #tpu.memory_space<vmem>> -> memref<128xi32, #tpu.memory_space<vmem>>
      %dma_wait3A_66 = arith.constant 0 : i32
      %dma_wait3A_67 = tpu.memref_slice %arg6[%dma_wait3A_66] : memref<4096xf32, #tpu.memory_space<hbm>> -> memref<4096xf32, #tpu.memory_space<hbm>>
      tpu.wait_indirect_dma semaphore(%arg27 : memref<!tpu.dma_semaphore, #tpu.memory_space<semaphore_mem>>) src(%dma_wait3A_67 : memref<4096xf32, #tpu.memory_space<hbm>>) dst(%dma_wait3A_63 : memref<128xf32, #tpu.memory_space<vmem>>)
      %dma_wait3A_68 = arith.constant 128 : i32
      %dma_wait3A_69 = tpu.memref_slice %arg18[%dma_wait3A_68] : memref<256xf32, #tpu.memory_space<vmem>> -> memref<128xf32, #tpu.memory_space<vmem>>
      %dma_wait3A_70 = arith.constant 128 : i32
      %dma_wait3A_71 = tpu.memref_slice %arg13[%dma_wait3A_70] : memref<256xi32, #tpu.memory_space<vmem>> -> memref<128xi32, #tpu.memory_space<vmem>>
      %dma_wait3A_72 = arith.constant 0 : i32
      %dma_wait3A_73 = tpu.memref_slice %arg6[%dma_wait3A_72] : memref<4096xf32, #tpu.memory_space<hbm>> -> memref<4096xf32, #tpu.memory_space<hbm>>
      tpu.wait_indirect_dma semaphore(%arg27 : memref<!tpu.dma_semaphore, #tpu.memory_space<semaphore_mem>>) src(%dma_wait3A_73 : memref<4096xf32, #tpu.memory_space<hbm>>) dst(%dma_wait3A_69 : memref<128xf32, #tpu.memory_space<vmem>>)
      %dma_wait3A_74 = arith.constant 0 : i32
      %dma_wait3A_75 = tpu.memref_slice %arg19[%dma_wait3A_74] : memref<256xf32, #tpu.memory_space<vmem>> -> memref<128xf32, #tpu.memory_space<vmem>>
      %dma_wait3A_76 = arith.constant 0 : i32
      %dma_wait3A_77 = tpu.memref_slice %arg13[%dma_wait3A_76] : memref<256xi32, #tpu.memory_space<vmem>> -> memref<128xi32, #tpu.memory_space<vmem>>
      %dma_wait3A_78 = arith.constant 0 : i32
      %dma_wait3A_79 = tpu.memref_slice %arg8[%dma_wait3A_78] : memref<4096xf32, #tpu.memory_space<hbm>> -> memref<4096xf32, #tpu.memory_space<hbm>>
      tpu.wait_indirect_dma semaphore(%arg27 : memref<!tpu.dma_semaphore, #tpu.memory_space<semaphore_mem>>) src(%dma_wait3A_79 : memref<4096xf32, #tpu.memory_space<hbm>>) dst(%dma_wait3A_75 : memref<128xf32, #tpu.memory_space<vmem>>)
      %dma_wait3A_80 = arith.constant 128 : i32
      %dma_wait3A_81 = tpu.memref_slice %arg19[%dma_wait3A_80] : memref<256xf32, #tpu.memory_space<vmem>> -> memref<128xf32, #tpu.memory_space<vmem>>
      %dma_wait3A_82 = arith.constant 128 : i32
      %dma_wait3A_83 = tpu.memref_slice %arg13[%dma_wait3A_82] : memref<256xi32, #tpu.memory_space<vmem>> -> memref<128xi32, #tpu.memory_space<vmem>>
      %dma_wait3A_84 = arith.constant 0 : i32
      %dma_wait3A_85 = tpu.memref_slice %arg8[%dma_wait3A_84] : memref<4096xf32, #tpu.memory_space<hbm>> -> memref<4096xf32, #tpu.memory_space<hbm>>
      tpu.wait_indirect_dma semaphore(%arg27 : memref<!tpu.dma_semaphore, #tpu.memory_space<semaphore_mem>>) src(%dma_wait3A_85 : memref<4096xf32, #tpu.memory_space<hbm>>) dst(%dma_wait3A_81 : memref<128xf32, #tpu.memory_space<vmem>>)
      %get3A = arith.constant 0 : index
      %get3A_86 = tpu.vector_load %arg21[%get3A] {strides = array<i32>} : memref<128xf32, #tpu.memory_space<vmem>>, vector<16xf32>,
      %get3A_87 = vector.shape_cast %get3A_86 : vector<16xf32> to vector<16xf32>
      %div3A = arith.constant 0.899999976 : f32
      %div3A_88 = vector.broadcast %div3A : f32 to vector<16xf32>
      %div3A_89 = arith.divf %div3A_88, %get3A_87 : vector<16xf32>
      %broadcast_in_dim3A = arith.constant 0.000000e+00 : f32
      %broadcast_in_dim3A_90 = vector.broadcast %broadcast_in_dim3A : f32 to vector<16xf32>
      %scan3A = arith.constant 0 : i32
      %scan3A_91 = arith.constant 16 : i32
      %scan3A_92 = arith.addi %scan3A, %scan3A_91 : i32
      %scan3A_93 = arith.constant 1 : i32
      %scan3A_94 = scf.for %scan3A_105 = %scan3A to %scan3A_92 step %scan3A_93 iter_args(%scan3A_106 = %broadcast_in_dim3A_90) -> (vector<16xf32>)  : i32 {
        %mul3A_107 = arith.constant 16 : i32
        %mul3A_108 = arith.muli %scan3A_105, %mul3A_107 : i32
        %get3A_109 = arith.index_cast %mul3A_108 : i32 to index
        %get3A_110 = tpu.vector_load %arg17[%get3A_109] {strides = array<i32>} : memref<256xf32, #tpu.memory_space<vmem>>, vector<16xf32>,
        %get3A_111 = vector.shape_cast %get3A_110 : vector<16xf32> to vector<16xf32>
        %mul3A_112 = arith.constant 1.000000e-01 : f32
        %mul3A_113 = vector.broadcast %mul3A_112 : f32 to vector<16xf32>
        %mul3A_114 = arith.mulf %mul3A_113, %get3A_111 : vector<16xf32>
        %get3A_115 = arith.index_cast %mul3A_108 : i32 to index
        %get3A_116 = tpu.vector_load %arg16[%get3A_115] {strides = array<i32>} : memref<256xf32, #tpu.memory_space<vmem>>, vector<16xf32>,
        %get3A_117 = vector.shape_cast %get3A_116 : vector<16xf32> to vector<16xf32>
        %neg3A = arith.constant 0.000000e+00 : f32
        %neg3A_118 = vector.broadcast %neg3A : f32 to vector<16xf32>
        %neg3A_119 = arith.subf %neg3A_118, %get3A_117 : vector<16xf32>
        %exp3A = math.exp %neg3A_119 : vector<16xf32>
        %mul3A_120 = arith.mulf %mul3A_114, %exp3A : vector<16xf32>
        %get3A_121 = arith.index_cast %mul3A_108 : i32 to index
        %get3A_122 = tpu.vector_load %arg18[%get3A_121] {strides = array<i32>} : memref<256xf32, #tpu.memory_space<vmem>>, vector<16xf32>,
        %get3A_123 = vector.shape_cast %get3A_122 : vector<16xf32> to vector<16xf32>
        %mul3A_124 = arith.mulf %div3A_89, %get3A_123 : vector<16xf32>
        %get3A_125 = arith.index_cast %mul3A_108 : i32 to index
        %get3A_126 = tpu.vector_load %arg19[%get3A_125] {strides = array<i32>} : memref<256xf32, #tpu.memory_space<vmem>>, vector<16xf32>,
        %get3A_127 = vector.shape_cast %get3A_126 : vector<16xf32> to vector<16xf32>
        %get3A_128 = arith.index_cast %mul3A_108 : i32 to index
        %get3A_129 = tpu.vector_load %arg16[%get3A_128] {strides = array<i32>} : memref<256xf32, #tpu.memory_space<vmem>>, vector<16xf32>,
        %get3A_130 = vector.shape_cast %get3A_129 : vector<16xf32> to vector<16xf32>
        %sub3A = arith.subf %get3A_127, %get3A_130 : vector<16xf32>
        %exp3A_131 = math.exp %sub3A : vector<16xf32>
        %mul3A_132 = arith.mulf %mul3A_124, %exp3A_131 : vector<16xf32>
        %add3A_133 = arith.addf %mul3A_120, %mul3A_132 : vector<16xf32>
        %get3A_134 = arith.index_cast %mul3A_108 : i32 to index
        %get3A_135 = tpu.vector_load %arg15[%get3A_134] {strides = array<i32>} : memref<256xf32, #tpu.memory_space<vmem>>, vector<16xf32>,
        %get3A_136 = vector.shape_cast %get3A_135 : vector<16xf32> to vector<16xf32>
        %div3A_137 = arith.divf %get3A_136, %add3A_133 : vector<16xf32>
        %get3A_138 = arith.index_cast %mul3A_108 : i32 to index
        %get3A_139 = tpu.vector_load %arg14[%get3A_138] {strides = array<i32>} : memref<256xi32, #tpu.memory_space<vmem>>, vector<16xi32>,
        %get3A_140 = vector.shape_cast %get3A_139 : vector<16xi32> to vector<16xi32>
        %eq3A_141 = arith.constant 1 : i32
        %eq3A_142 = vector.broadcast %eq3A_141 : i32 to vector<16xi32>
        %eq3A_143 = arith.cmpi eq, %get3A_140, %eq3A_142 : vector<16xi32>
        %jit3A = arith.constant 0.000000e+00 : f32
        %broadcast_in_dim3A_144 = vector.broadcast %jit3A : f32 to vector<16xf32>
        %select_n3A = arith.select %eq3A_143, %div3A_137, %broadcast_in_dim3A_144 : vector<16xi1>, vector<16xf32>
        %add3A_145 = arith.addf %scan3A_106, %select_n3A : vector<16xf32>
        scf.yield %add3A_145 : vector<16xf32>
      }
      %scan3A_95 = arith.constant 16 : i32
      %swap3A = arith.constant 0 : index
      %swap3A_96 = tpu.vector_load %arg22[%swap3A] {strides = array<i32>} : memref<16xf32, #tpu.memory_space<vmem>>, vector<16xf32>,
      %swap3A_97 = vector.shape_cast %swap3A_96 : vector<16xf32> to vector<16xf32>
      %swap3A_98 = vector.shape_cast %scan3A_94 : vector<16xf32> to vector<16xf32>
      tpu.vector_store %arg22[%swap3A], %swap3A_98 {strides = array<i32>} : memref<16xf32, #tpu.memory_space<vmem>>, vector<16xf32>,
      %broadcast_in_dim3A_99 = arith.constant 0 : i32
      %broadcast_in_dim3A_100 = vector.broadcast %broadcast_in_dim3A_99 : i32 to vector<16xi32>
      %swap3A_101 = arith.constant 0 : index
      %swap3A_102 = tpu.vector_load %arg23[%swap3A_101] {strides = array<i32>} : memref<16xi32, #tpu.memory_space<vmem>>, vector<16xi32>,
      %swap3A_103 = vector.shape_cast %swap3A_102 : vector<16xi32> to vector<16xi32>
      %swap3A_104 = vector.shape_cast %broadcast_in_dim3A_100 : vector<16xi32> to vector<16xi32>
      tpu.vector_store %arg23[%swap3A_101], %swap3A_104 {strides = array<i32>} : memref<16xi32, #tpu.memory_space<vmem>>, vector<16xi32>,
      "tpu.region"() ({
        %run_scoped3A = tpu.sem_alloc : memref<!tpu.dma_semaphore, #tpu.memory_space<semaphore_mem>>
        %dma_start3A_105 = arith.constant 0 : i32
        %dma_start3A_106 = tpu.memref_slice %arg26[%dma_start3A_105] : memref<16xf32, #tpu.memory_space<vmem_shared>> -> memref<16xf32, #tpu.memory_space<vmem_shared>>
        tpu.enqueue_indirect_dma source(%arg22 : memref<16xf32, #tpu.memory_space<vmem>>) target(%dma_start3A_106 : memref<16xf32, #tpu.memory_space<vmem_shared>>) offsets(%arg23 : memref<16xi32, #tpu.memory_space<vmem>>) semaphore(%run_scoped3A : memref<!tpu.dma_semaphore, #tpu.memory_space<semaphore_mem>>) {add = true}
        %dma_wait3A_107 = arith.constant 0 : i32
        %dma_wait3A_108 = tpu.memref_slice %arg26[%dma_wait3A_107] : memref<16xf32, #tpu.memory_space<vmem_shared>> -> memref<16xf32, #tpu.memory_space<vmem_shared>>
        tpu.wait_indirect_dma semaphore(%run_scoped3A : memref<!tpu.dma_semaphore, #tpu.memory_space<semaphore_mem>>) src(%arg22 : memref<16xf32, #tpu.memory_space<vmem>>) dst(%dma_wait3A_108 : memref<16xf32, #tpu.memory_space<vmem_shared>>)
        tpu.yield
      }) : () -> ()
    } else {
    }
    %barrier3A_8 = arith.constant 0 : index
    tpu.barrier barrier_id(%barrier3A_8)
    %eq3A_9 = arith.constant 0 : i32
    %eq3A_10 = arith.cmpi eq, %add3A, %eq3A_9 : i32
    %convert_element_type3A_11 = arith.extui %eq3A_10 : i1 to i32
    %cond3A_12 = arith.constant 0 : i32
    %cond3A_13 = arith.cmpi ne, %convert_element_type3A_11, %cond3A_12 : i32
    scf.if %cond3A_13 {
      "tpu.region"() ({
        %run_scoped3A = tpu.sem_alloc : memref<!tpu.dma_semaphore, #tpu.memory_space<semaphore_mem>>
        tpu.enqueue_dma source(%arg26 : memref<16xf32, #tpu.memory_space<vmem_shared>>) target(%arg24 : memref<16xf32, #tpu.memory_space<vmem>>) target_semaphore(%run_scoped3A : memref<!tpu.dma_semaphore, #tpu.memory_space<semaphore_mem>>)
        tpu.wait_dma2 semaphore(%run_scoped3A : memref<!tpu.dma_semaphore, #tpu.memory_space<semaphore_mem>>) src(%arg26 : memref<16xf32, #tpu.memory_space<vmem_shared>>) dst(%arg24 : memref<16xf32, #tpu.memory_space<vmem>>)
        tpu.yield
      }) : () -> ()
      %get3A = arith.constant 0 : index
      %get3A_14 = tpu.vector_load %arg20[%get3A] {strides = array<i32>} : memref<128xf32, #tpu.memory_space<vmem>>, vector<16xf32>,
      %get3A_15 = vector.shape_cast %get3A_14 : vector<16xf32> to vector<16xf32>
      %get3A_16 = arith.constant 0 : index
      %get3A_17 = tpu.vector_load %arg21[%get3A_16] {strides = array<i32>} : memref<128xf32, #tpu.memory_space<vmem>>, vector<16xf32>,
      %get3A_18 = vector.shape_cast %get3A_17 : vector<16xf32> to vector<16xf32>
      %get3A_19 = arith.constant 0 : index
      %get3A_20 = tpu.vector_load %arg24[%get3A_19] {strides = array<i32>} : memref<16xf32, #tpu.memory_space<vmem>>, vector<16xf32>,
      %get3A_21 = vector.shape_cast %get3A_20 : vector<16xf32> to vector<16xf32>
      %mul3A_22 = arith.mulf %get3A_15, %get3A_18 : vector<16xf32>
      %div3A = arith.divf %get3A_21, %mul3A_22 : vector<16xf32>
      %swap3A = arith.constant 0 : index
      %swap3A_23 = tpu.vector_load %arg25[%swap3A] {strides = array<i32>} : memref<16xf32, #tpu.memory_space<vmem>>, vector<16xf32>,
      %swap3A_24 = vector.shape_cast %swap3A_23 : vector<16xf32> to vector<16xf32>
      %swap3A_25 = vector.shape_cast %div3A : vector<16xf32> to vector<16xf32>
      tpu.vector_store %arg25[%swap3A], %swap3A_25 {strides = array<i32>} : memref<16xf32, #tpu.memory_space<vmem>>, vector<16xf32>,
      "tpu.region"() ({
        %run_scoped3A = tpu.sem_alloc : memref<!tpu.dma_semaphore, #tpu.memory_space<semaphore_mem>>
        tpu.enqueue_dma source(%arg25 : memref<16xf32, #tpu.memory_space<vmem>>) target(%arg11 : memref<16xf32, #tpu.memory_space<hbm>>) target_semaphore(%run_scoped3A : memref<!tpu.dma_semaphore, #tpu.memory_space<semaphore_mem>>)
        tpu.wait_dma2 semaphore(%run_scoped3A : memref<!tpu.dma_semaphore, #tpu.memory_space<semaphore_mem>>) src(%arg25 : memref<16xf32, #tpu.memory_space<vmem>>) dst(%arg11 : memref<16xf32, #tpu.memory_space<hbm>>)
        tpu.yield
      }) : () -> ()
    } else {
    }
    return
  }
}

module attributes {stable_mosaic.version = 14 : i64} {
  func.func @_tc_body(%arg0: i32, %arg1: memref<4096x1xf32, #tpu.memory_space<vmem>>, %arg2: memref<4096x1xi32, #tpu.memory_space<vmem>>, %arg3: memref<4096x1xi32, #tpu.memory_space<vmem>>, %arg4: memref<1x1024xf32, #tpu.memory_space<vmem>>, %arg5: memref<1x1024xi32, #tpu.memory_space<vmem>>, %arg6: memref<1x4096xi32, #tpu.memory_space<vmem>>, %arg7: memref<1x1024xf32, #tpu.memory_space<vmem>>, %arg8: memref<1x1024xf32, #tpu.memory_space<vmem>>, %arg9: memref<1x1024xf32, #tpu.memory_space<vmem>>, %arg10: memref<1x1024xi32, #tpu.memory_space<vmem>>, %arg11: memref<1x128xf32, #tpu.memory_space<vmem>>, %arg12: memref<1x128xf32, #tpu.memory_space<vmem>>, %arg13: memref<4096x1xf32, #tpu.memory_space<vmem>>, %arg14: memref<4096x1xi32, #tpu.memory_space<vmem>>, %arg15: memref<1x128xf32, #tpu.memory_space<vmem>>, %arg16: memref<1x128xf32, #tpu.memory_space<vmem>>) attributes {dimension_semantics = [#tpu.dimension_semantics<arbitrary>], iteration_bounds = array<i64: 4>, scalar_prefetch = 0 : i64, scratch_operands = 4 : i64, tpu.core_type = #tpu.core_type<tc>, window_params = [{pipeline_mode = #tpu.pipeline_mode<synchronous>, transform_indices = @transform_0, window_bounds = array<i64: 4096, 1>}, {pipeline_mode = #tpu.pipeline_mode<synchronous>, transform_indices = @transform_1, window_bounds = array<i64: 4096, 1>}, {pipeline_mode = #tpu.pipeline_mode<synchronous>, transform_indices = @transform_2, window_bounds = array<i64: 4096, 1>}, {transform_indices = @transform_3, window_bounds = array<i64: 1, 1024>}, {transform_indices = @transform_4, window_bounds = array<i64: 1, 1024>}, {pipeline_mode = #tpu.pipeline_mode<synchronous>, transform_indices = @transform_5, window_bounds = array<i64: 1, 4096>}, {transform_indices = @transform_6, window_bounds = array<i64: 1, 1024>}, {transform_indices = @transform_7, window_bounds = array<i64: 1, 1024>}, {transform_indices = @transform_8, window_bounds = array<i64: 1, 1024>}, {transform_indices = @transform_9, window_bounds = array<i64: 1, 1024>}, {pipeline_mode = #tpu.pipeline_mode<synchronous>, transform_indices = @transform_10, window_bounds = array<i64: 1, 128>}, {pipeline_mode = #tpu.pipeline_mode<synchronous>, transform_indices = @transform_11, window_bounds = array<i64: 1, 128>}]} {
    %eq3A = arith.constant 0 : i32
    %eq3A_0 = arith.cmpi eq, %arg0, %eq3A : i32
    %convert_element_type3A = arith.extui %eq3A_0 : i1 to i32
    %cond3A = arith.constant 0 : i32
    %cond3A_1 = arith.cmpi ne, %convert_element_type3A, %cond3A : i32
    scf.if %cond3A_1 {
      %get3A_74 = arith.constant 0 : index
      %get3A_75 = arith.constant 0 : index
      %get3A_76 = vector.load %arg1[%get3A_74, %get3A_75] : memref<4096x1xf32, #tpu.memory_space<vmem>>, vector<4096x1xf32>
      %get3A_77 = arith.constant 0 : index
      %get3A_78 = arith.constant 0 : index
      %get3A_79 = vector.load %arg2[%get3A_77, %get3A_78] : memref<4096x1xi32, #tpu.memory_space<vmem>>, vector<4096x1xi32>
      %eq3A_80 = arith.constant 0 : i32
      %eq3A_81 = vector.broadcast %eq3A_80 : i32 to vector<4096x1xi32>
      %eq3A_82 = arith.cmpi eq, %get3A_79, %eq3A_81 : vector<4096x1xi32>
      %jit3A_83 = arith.constant -1.000000e+30 : f32
      %broadcast_in_dim3A_84 = vector.broadcast %jit3A_83 : f32 to vector<4096x1xf32>
      %select_n3A_85 = arith.select %eq3A_82, %get3A_76, %broadcast_in_dim3A_84 : vector<4096x1xi1>, vector<4096x1xf32>
      %mul3A_86 = arith.constant 1.2011224 : f32
      %mul3A_87 = vector.broadcast %mul3A_86 : f32 to vector<4096x1xf32>
      %mul3A_88 = arith.mulf %select_n3A_85, %mul3A_87 : vector<4096x1xf32>
      %swap3A_89 = arith.constant 0 : index
      %swap3A_90 = arith.constant 0 : index
      %swap3A_91 = vector.load %arg13[%swap3A_89, %swap3A_90] : memref<4096x1xf32, #tpu.memory_space<vmem>>, vector<4096x1xf32>
      tpu.vector_store %arg13[%swap3A_89, %swap3A_90], %mul3A_88 {strides = array<i32>} : memref<4096x1xf32, #tpu.memory_space<vmem>>, vector<4096x1xf32>,
      %eq3A_92 = arith.constant 1 : i32
      %eq3A_93 = vector.broadcast %eq3A_92 : i32 to vector<4096x1xi32>
      %eq3A_94 = arith.cmpi eq, %get3A_79, %eq3A_93 : vector<4096x1xi32>
      %get3A_95 = arith.constant 0 : index
      %get3A_96 = arith.constant 0 : index
      %get3A_97 = vector.load %arg3[%get3A_95, %get3A_96] : memref<4096x1xi32, #tpu.memory_space<vmem>>, vector<4096x1xi32>
      %jit3A_98 = arith.constant -1 : i32
      %broadcast_in_dim3A_99 = vector.broadcast %jit3A_98 : i32 to vector<4096x1xi32>
      %select_n3A_100 = arith.select %eq3A_94, %get3A_97, %broadcast_in_dim3A_99 : vector<4096x1xi1>, vector<4096x1xi32>
      %swap3A_101 = arith.constant 0 : index
      %swap3A_102 = arith.constant 0 : index
      %swap3A_103 = vector.load %arg14[%swap3A_101, %swap3A_102] : memref<4096x1xi32, #tpu.memory_space<vmem>>, vector<4096x1xi32>
      tpu.vector_store %arg14[%swap3A_101, %swap3A_102], %select_n3A_100 {strides = array<i32>} : memref<4096x1xi32, #tpu.memory_space<vmem>>, vector<4096x1xi32>,
      %get3A_104 = arith.constant 0 : index
      %get3A_105 = arith.constant 0 : index
      %get3A_106 = vector.load %arg6[%get3A_104, %get3A_105] : memref<1x4096xi32, #tpu.memory_space<vmem>>, vector<1x4096xi32>
      %eq3A_107 = arith.constant 1 : i32
      %eq3A_108 = vector.broadcast %eq3A_107 : i32 to vector<1x4096xi32>
      %eq3A_109 = arith.cmpi eq, %get3A_106, %eq3A_108 : vector<1x4096xi32>
      %jit3A_110 = arith.constant 1.000000e+00 : f32
      %jit3A_111 = arith.constant 0.000000e+00 : f32
      %broadcast_in_dim3A_112 = vector.broadcast %jit3A_110 : f32 to vector<1x4096xf32>
      %broadcast_in_dim3A_113 = vector.broadcast %jit3A_111 : f32 to vector<1x4096xf32>
      %select_n3A_114 = arith.select %eq3A_109, %broadcast_in_dim3A_112, %broadcast_in_dim3A_113 : vector<1x4096xi1>, vector<1x4096xf32>
      %reduce_sum3A_115 = vector.shape_cast %select_n3A_114 : vector<1x4096xf32> to vector<1x1x4096xf32>
      %reduce_sum3A_116 = arith.constant dense<0.000000e+00> : vector<1xf32>
      %reduce_sum3A_117 = vector.multi_reduction <add>, %reduce_sum3A_115, %reduce_sum3A_116 [1, 2] : vector<1x1x4096xf32> to vector<1xf32>
      %reduce_sum3A_118 = vector.shape_cast %reduce_sum3A_117 : vector<1xf32> to vector<1x1x1xf32>
      %reduce_sum3A_119 = vector.extract %reduce_sum3A_118[0, 0, 0] : f32 from vector<1x1x1xf32>
      %eq3A_120 = arith.constant 0 : i32
      %eq3A_121 = vector.broadcast %eq3A_120 : i32 to vector<1x4096xi32>
      %eq3A_122 = arith.cmpi eq, %get3A_106, %eq3A_121 : vector<1x4096xi32>
      %jit3A_123 = arith.constant 1.000000e+00 : f32
      %jit3A_124 = arith.constant 0.000000e+00 : f32
      %broadcast_in_dim3A_125 = vector.broadcast %jit3A_123 : f32 to vector<1x4096xf32>
      %broadcast_in_dim3A_126 = vector.broadcast %jit3A_124 : f32 to vector<1x4096xf32>
      %select_n3A_127 = arith.select %eq3A_122, %broadcast_in_dim3A_125, %broadcast_in_dim3A_126 : vector<1x4096xi1>, vector<1x4096xf32>
      %reduce_sum3A_128 = vector.shape_cast %select_n3A_127 : vector<1x4096xf32> to vector<1x1x4096xf32>
      %reduce_sum3A_129 = arith.constant dense<0.000000e+00> : vector<1xf32>
      %reduce_sum3A_130 = vector.multi_reduction <add>, %reduce_sum3A_128, %reduce_sum3A_129 [1, 2] : vector<1x1x4096xf32> to vector<1xf32>
      %reduce_sum3A_131 = vector.shape_cast %reduce_sum3A_130 : vector<1xf32> to vector<1x1x1xf32>
      %reduce_sum3A_132 = vector.extract %reduce_sum3A_131[0, 0, 0] : f32 from vector<1x1x1xf32>
      %broadcast_in_dim3A_133 = vector.broadcast %reduce_sum3A_119 : f32 to vector<1x128xf32>
      %swap3A_134 = arith.constant 0 : index
      %swap3A_135 = arith.constant 0 : index
      %swap3A_136 = vector.load %arg11[%swap3A_134, %swap3A_135] : memref<1x128xf32, #tpu.memory_space<vmem>>, vector<1x128xf32>
      tpu.vector_store %arg11[%swap3A_134, %swap3A_135], %broadcast_in_dim3A_133 {strides = array<i32>} : memref<1x128xf32, #tpu.memory_space<vmem>>, vector<1x128xf32>,
      %broadcast_in_dim3A_137 = vector.broadcast %reduce_sum3A_132 : f32 to vector<1x128xf32>
      %swap3A_138 = arith.constant 0 : index
      %swap3A_139 = arith.constant 0 : index
      %swap3A_140 = vector.load %arg12[%swap3A_138, %swap3A_139] : memref<1x128xf32, #tpu.memory_space<vmem>>, vector<1x128xf32>
      tpu.vector_store %arg12[%swap3A_138, %swap3A_139], %broadcast_in_dim3A_137 {strides = array<i32>} : memref<1x128xf32, #tpu.memory_space<vmem>>, vector<1x128xf32>,
      %broadcast_in_dim3A_141 = vector.broadcast %reduce_sum3A_119 : f32 to vector<1x128xf32>
      %swap3A_142 = arith.constant 0 : index
      %swap3A_143 = arith.constant 0 : index
      %swap3A_144 = vector.load %arg15[%swap3A_142, %swap3A_143] : memref<1x128xf32, #tpu.memory_space<vmem>>, vector<1x128xf32>
      tpu.vector_store %arg15[%swap3A_142, %swap3A_143], %broadcast_in_dim3A_141 {strides = array<i32>} : memref<1x128xf32, #tpu.memory_space<vmem>>, vector<1x128xf32>,
      %reduce_max3A_145 = vector.shape_cast %select_n3A_85 : vector<4096x1xf32> to vector<1x4096x1xf32>
      %reduce_max3A_146 = arith.constant dense<0xFF800000> : vector<1xf32>
      %reduce_max3A_147 = vector.multi_reduction <maximumf>, %reduce_max3A_145, %reduce_max3A_146 [1, 2] : vector<1x4096x1xf32> to vector<1xf32>
      %reduce_max3A_148 = vector.shape_cast %reduce_max3A_147 : vector<1xf32> to vector<1x1x1xf32>
      %reduce_max3A_149 = vector.extract %reduce_max3A_148[0, 0, 0] : f32 from vector<1x1x1xf32>
      %broadcast_in_dim3A_150 = vector.broadcast %reduce_max3A_149 : f32 to vector<1x128xf32>
      %swap3A_151 = arith.constant 0 : index
      %swap3A_152 = arith.constant 0 : index
      %swap3A_153 = vector.load %arg16[%swap3A_151, %swap3A_152] : memref<1x128xf32, #tpu.memory_space<vmem>>, vector<1x128xf32>
      tpu.vector_store %arg16[%swap3A_151, %swap3A_152], %broadcast_in_dim3A_150 {strides = array<i32>} : memref<1x128xf32, #tpu.memory_space<vmem>>, vector<1x128xf32>,
    } else {
    }
    %get3A = arith.constant 0 : index
    %get3A_2 = arith.constant 0 : index
    %get3A_3 = vector.load %arg13[%get3A, %get3A_2] : memref<4096x1xf32, #tpu.memory_space<vmem>>, vector<4096x1xf32>
    %get3A_4 = arith.constant 0 : index
    %get3A_5 = arith.constant 0 : index
    %get3A_6 = vector.load %arg14[%get3A_4, %get3A_5] : memref<4096x1xi32, #tpu.memory_space<vmem>>, vector<4096x1xi32>
    %get3A_7 = arith.constant 0 : index
    %get3A_8 = arith.constant 0 : index
    %get3A_9 = vector.load %arg4[%get3A_7, %get3A_8] : memref<1x1024xf32, #tpu.memory_space<vmem>>, vector<1x1024xf32>
    %get3A_10 = arith.constant 0 : index
    %get3A_11 = arith.constant 0 : index
    %get3A_12 = vector.load %arg5[%get3A_10, %get3A_11] : memref<1x1024xi32, #tpu.memory_space<vmem>>, vector<1x1024xi32>
    %get3A_13 = arith.constant 0 : index
    %get3A_14 = arith.constant 0 : index
    %get3A_15 = vector.load %arg15[%get3A_13, %get3A_14] : memref<1x128xf32, #tpu.memory_space<vmem>>, vector<1x1xf32>
    %get3A_16 = vector.extract %get3A_15[0, 0] : f32 from vector<1x1xf32>
    %get3A_17 = arith.constant 0 : index
    %get3A_18 = arith.constant 0 : index
    %get3A_19 = vector.load %arg16[%get3A_17, %get3A_18] : memref<1x128xf32, #tpu.memory_space<vmem>>, vector<1x1xf32>
    %get3A_20 = vector.extract %get3A_19[0, 0] : f32 from vector<1x1xf32>
    %sub3A = arith.constant 1.000000e+00 : f32
    %sub3A_21 = vector.broadcast %sub3A : f32 to vector<1x1024xf32>
    %sub3A_22 = arith.subf %sub3A_21, %get3A_9 : vector<1x1024xf32>
    %add3A = vector.broadcast %get3A_20 : f32 to vector<1x1024xf32>
    %add3A_23 = arith.addf %sub3A_22, %add3A : vector<1x1024xf32>
    %max3A = arith.constant 0.000000e+00 : f32
    %max3A_24 = vector.broadcast %max3A : f32 to vector<1x1024xf32>
    %max3A_25 = arith.maximumf %add3A_23, %max3A_24 : vector<1x1024xf32>
    %mul3A = arith.mulf %max3A_25, %max3A_25 : vector<1x1024xf32>
    %swap3A = arith.constant 0 : index
    %swap3A_26 = arith.constant 0 : index
    %swap3A_27 = vector.load %arg9[%swap3A, %swap3A_26] : memref<1x1024xf32, #tpu.memory_space<vmem>>, vector<1x1024xf32>
    tpu.vector_store %arg9[%swap3A, %swap3A_26], %mul3A {strides = array<i32>} : memref<1x1024xf32, #tpu.memory_space<vmem>>, vector<1x1024xf32>,
    %mul3A_28 = arith.constant 1.44269502 : f32
    %mul3A_29 = vector.broadcast %mul3A_28 : f32 to vector<1x1024xf32>
    %mul3A_30 = arith.mulf %mul3A, %mul3A_29 : vector<1x1024xf32>
    %mul3A_31 = arith.constant 1.2011224 : f32
    %mul3A_32 = vector.broadcast %mul3A_31 : f32 to vector<1x1024xf32>
    %mul3A_33 = arith.mulf %sub3A_22, %mul3A_32 : vector<1x1024xf32>
    %add3A_34 = vector.broadcast %mul3A_33 : vector<1x1024xf32> to vector<4096x1024xf32>
    %add3A_35 = vector.broadcast %get3A_3 : vector<4096x1xf32> to vector<4096x1024xf32>
    %add3A_36 = arith.addf %add3A_34, %add3A_35 : vector<4096x1024xf32>
    %max3A_37 = arith.constant 0.000000e+00 : f32
    %max3A_38 = vector.broadcast %max3A_37 : f32 to vector<4096x1024xf32>
    %max3A_39 = arith.maximumf %add3A_36, %max3A_38 : vector<4096x1024xf32>
    %mul3A_40 = arith.mulf %max3A_39, %max3A_39 : vector<4096x1024xf32>
    %sub3A_41 = vector.broadcast %mul3A_30 : vector<1x1024xf32> to vector<4096x1024xf32>
    %sub3A_42 = arith.subf %mul3A_40, %sub3A_41 : vector<4096x1024xf32>
    %exp23A = math.exp2 %sub3A_42 : vector<4096x1024xf32>
    %reduce_sum3A = arith.constant dense<0.000000e+00> : vector<1024xf32>
    %reduce_sum3A_43 = vector.multi_reduction <add>, %exp23A, %reduce_sum3A [0] : vector<4096x1024xf32> to vector<1024xf32>
    %broadcast_in_dim3A = vector.shape_cast %reduce_sum3A_43 : vector<1024xf32> to vector<1x1024xf32>
    %neg3A = arith.constant 0.000000e+00 : f32
    %neg3A_44 = vector.broadcast %neg3A : f32 to vector<1x1024xf32>
    %neg3A_45 = arith.subf %neg3A_44, %mul3A : vector<1x1024xf32>
    %exp3A = math.exp %neg3A_45 : vector<1x1024xf32>
    %mul3A_46 = vector.broadcast %get3A_16 : f32 to vector<1x1024xf32>
    %mul3A_47 = arith.mulf %mul3A_46, %exp3A : vector<1x1024xf32>
    %sub3A_48 = arith.subf %broadcast_in_dim3A, %mul3A_47 : vector<1x1024xf32>
    %swap3A_49 = arith.constant 0 : index
    %swap3A_50 = arith.constant 0 : index
    %swap3A_51 = vector.load %arg7[%swap3A_49, %swap3A_50] : memref<1x1024xf32, #tpu.memory_space<vmem>>, vector<1x1024xf32>
    tpu.vector_store %arg7[%swap3A_49, %swap3A_50], %sub3A_48 {strides = array<i32>} : memref<1x1024xf32, #tpu.memory_space<vmem>>, vector<1x1024xf32>,
    %mul3A_52 = arith.mulf %exp23A, %mul3A_40 : vector<4096x1024xf32>
    %reduce_sum3A_53 = arith.constant dense<0.000000e+00> : vector<1024xf32>
    %reduce_sum3A_54 = vector.multi_reduction <add>, %mul3A_52, %reduce_sum3A_53 [0] : vector<4096x1024xf32> to vector<1024xf32>
    %broadcast_in_dim3A_55 = vector.shape_cast %reduce_sum3A_54 : vector<1024xf32> to vector<1x1024xf32>
    %div3A = arith.constant 1.000000e+00 : f32
    %div3A_56 = arith.constant 1.44269502 : f32
    %div3A_57 = arith.divf %div3A, %div3A_56 : f32
    %mul3A_58 = vector.broadcast %div3A_57 : f32 to vector<1x1024xf32>
    %mul3A_59 = arith.mulf %broadcast_in_dim3A_55, %mul3A_58 : vector<1x1024xf32>
    %swap3A_60 = arith.constant 0 : index
    %swap3A_61 = arith.constant 0 : index
    %swap3A_62 = vector.load %arg8[%swap3A_60, %swap3A_61] : memref<1x1024xf32, #tpu.memory_space<vmem>>, vector<1x1024xf32>
    tpu.vector_store %arg8[%swap3A_60, %swap3A_61], %mul3A_59 {strides = array<i32>} : memref<1x1024xf32, #tpu.memory_space<vmem>>, vector<1x1024xf32>,
    %iota3A = tpu.iota {dimensions = array<i32: 0>} : vector<4096x1024xi32>
    %convert_element_type3A_63 = arith.sitofp %iota3A : vector<4096x1024xi32> to vector<4096x1024xf32>
    %eq3A_64 = vector.broadcast %get3A_6 : vector<4096x1xi32> to vector<4096x1024xi32>
    %eq3A_65 = vector.broadcast %get3A_12 : vector<1x1024xi32> to vector<4096x1024xi32>
    %eq3A_66 = arith.cmpi eq, %eq3A_64, %eq3A_65 : vector<4096x1024xi32>
    %jit3A = arith.constant 0.000000e+00 : f32
    %broadcast_in_dim3A_67 = vector.broadcast %jit3A : f32 to vector<4096x1024xf32>
    %select_n3A = arith.select %eq3A_66, %convert_element_type3A_63, %broadcast_in_dim3A_67 : vector<4096x1024xi1>, vector<4096x1024xf32>
    %reduce_max3A = arith.constant dense<0xFF800000> : vector<1024xf32>
    %reduce_max3A_68 = vector.multi_reduction <maximumf>, %select_n3A, %reduce_max3A [0] : vector<4096x1024xf32> to vector<1024xf32>
    %broadcast_in_dim3A_69 = vector.shape_cast %reduce_max3A_68 : vector<1024xf32> to vector<1x1024xf32>
    %convert_element_type3A_70 = arith.fptosi %broadcast_in_dim3A_69 : vector<1x1024xf32> to vector<1x1024xi32>
    %swap3A_71 = arith.constant 0 : index
    %swap3A_72 = arith.constant 0 : index
    %swap3A_73 = vector.load %arg10[%swap3A_71, %swap3A_72] : memref<1x1024xi32, #tpu.memory_space<vmem>>, vector<1x1024xi32>
    tpu.vector_store %arg10[%swap3A_71, %swap3A_72], %convert_element_type3A_70 {strides = array<i32>} : memref<1x1024xi32, #tpu.memory_space<vmem>>, vector<1x1024xi32>,
    return
  }
  func.func @transform_0(%arg0: i32) -> (i32, i32) {
    %c0_i32 = arith.constant 0 : i32
    %c0_i32_0 = arith.constant 0 : i32
    %c0_i32_1 = arith.constant 0 : i32
    return %c0_i32, %c0_i32_0 : i32, i32
  }
  func.func @transform_1(%arg0: i32) -> (i32, i32) {
    %c0_i32 = arith.constant 0 : i32
    %c0_i32_0 = arith.constant 0 : i32
    %c0_i32_1 = arith.constant 0 : i32
    return %c0_i32, %c0_i32_0 : i32, i32
  }
  func.func @transform_2(%arg0: i32) -> (i32, i32) {
    %c0_i32 = arith.constant 0 : i32
    %c0_i32_0 = arith.constant 0 : i32
    %c0_i32_1 = arith.constant 0 : i32
    return %c0_i32, %c0_i32_0 : i32, i32
  }
  func.func @transform_3(%arg0: i32) -> (i32, i32) {
    %c0_i32 = arith.constant 0 : i32
    %c0_i32_0 = arith.constant 0 : i32
    return %c0_i32, %arg0 : i32, i32
  }
  func.func @transform_4(%arg0: i32) -> (i32, i32) {
    %c0_i32 = arith.constant 0 : i32
    %c0_i32_0 = arith.constant 0 : i32
    return %c0_i32, %arg0 : i32, i32
  }
  func.func @transform_5(%arg0: i32) -> (i32, i32) {
    %c0_i32 = arith.constant 0 : i32
    %c0_i32_0 = arith.constant 0 : i32
    %c0_i32_1 = arith.constant 0 : i32
    return %c0_i32, %c0_i32_0 : i32, i32
  }
  func.func @transform_6(%arg0: i32) -> (i32, i32) {
    %c0_i32 = arith.constant 0 : i32
    %c0_i32_0 = arith.constant 0 : i32
    return %c0_i32, %arg0 : i32, i32
  }
  func.func @transform_7(%arg0: i32) -> (i32, i32) {
    %c0_i32 = arith.constant 0 : i32
    %c0_i32_0 = arith.constant 0 : i32
    return %c0_i32, %arg0 : i32, i32
  }
  func.func @transform_8(%arg0: i32) -> (i32, i32) {
    %c0_i32 = arith.constant 0 : i32
    %c0_i32_0 = arith.constant 0 : i32
    return %c0_i32, %arg0 : i32, i32
  }
  func.func @transform_9(%arg0: i32) -> (i32, i32) {
    %c0_i32 = arith.constant 0 : i32
    %c0_i32_0 = arith.constant 0 : i32
    return %c0_i32, %arg0 : i32, i32
  }
  func.func @transform_10(%arg0: i32) -> (i32, i32) {
    %c0_i32 = arith.constant 0 : i32
    %c0_i32_0 = arith.constant 0 : i32
    %c0_i32_1 = arith.constant 0 : i32
    return %c0_i32, %c0_i32_0 : i32, i32
  }
  func.func @transform_11(%arg0: i32) -> (i32, i32) {
    %c0_i32 = arith.constant 0 : i32
    %c0_i32_0 = arith.constant 0 : i32
    %c0_i32_1 = arith.constant 0 : i32
    return %c0_i32, %c0_i32_0 : i32, i32
  }
}

</mosaic_0001>

<sc_bundles>
// kernel: kernel.4.cloned.1.call-start
scs
__scs_entry_jumppad:
0x0: {  	(pc) =	sbr.rel $0x88, $3  }
0x1: {  	(tag) =	ssettag $0x0;
	lr =	simm.s32 $0x1  }
0x2: {  	[smem:$0x3F9D] =	sst lr;
	_ =	strace $0xD0000000  }
0x3: {  	_ = 	snop  }
0x4: {  	_ = 	snop  }
0x5: {  	_ = 	snop  }
0x6: {  	_ = 	snop  }
0x7: {  	_ = 	snop  }
__scs_overlays_trampoline_lowered:
0x8: {  	[smem:$0x3FAC] =	sst s0  }
0x9: {  	[smem:$0x3FAD] =	sst s1  }
0xa: {  	[smem:$0x3FAE] =	sst s2  }
0xb: {  	[smem:$0x3FAF] =	sst s3  }
0xc: {  	[smem:$0x3FB0] =	sst s4  }
0xd: {  	[smem:$0x3FB1] =	sst s5  }
0xe: {  	[smem:$0x3FB2] =	sst s6  }
0xf: {  	[smem:$0x3FB3] =	sst s7  }
0x10: {  	[smem:$0x3FB4] =	sst s8  }
0x11: {  	[smem:$0x3FB5] =	sst s9;
	s0 =	simm.s32 @!p0 $0x0  }
0x12: {  	s1 =	sld [smem:$0x3F9B];
	s0 =	simm.s32 @p0 $0x1  }
0x13: {  	[smem:$0x3FB6] =	sst s0;
	s0 =	simm.s32 @!p1 $0x0  }
0x14: {  	s2 =	sld [smem:$0x3F9A];
	s0 =	simm.s32 @p1 $0x1  }
0x15: {  	[smem:$0x3FB7] =	sst s0;
	s0 =	simm.s32 @!p2 $0x0  }
0x16: {  	s3 =	sld [smem:$0x3FDB];
	s0 =	simm.s32 @p2 $0x1  }
0x17: {  	s4 =	simm.s32 $0x1BF5;
	[smem:$0x3FB9] =	sst s0  }
0x18: {  	s0 =	sld [smem:$0x3F9C];
	_ =	swait.ge [sflag:s4], $0x0  }
0x19: {  	s7 =	sld [smem:$0x3F9D]  }
0x1a: {  	s8 =	sadd.s32 $0xFFFFE003, lr  }
0x1b: {  	s9 =	sadd.s32 $0xFFFFFEF7, lr;
	s5 =	simm.s32 $0xFFFFFFFF;
	p2 =	slt.u32 s8, $0xFFFFF086  }
0x1c: {  	p1 =	slt.u32 s9, $0xF7A;
	s5 =	simm.s32 @!p2 $0x0  }
0x1d: {  	s5 =	simm.s32 @p1 $0x1;
	p0 =	seq.s32 s7, s2  }
0x1e: {  	s7 =	smul.u32 @!p0 $0xF7A, s2;
	p2 =	seq.s32 @!p0 s5, $0x0  }
0x1f: {  	s9 =	smul.u32 $0xF7A, s1;
	s8 =	simm.s32 @!p0 $0x1BF5;
	p2 =	por !p2, p0  }
0x20: {  	[sflag:s8] =	ssyncset.s32 @!p0 $0xFFFFF086;
	s6 =	sadd.s32 @!p0 s3, s7;
	s7 =	simm.s32 @!p0 $0x108  }
0x21: {  	s3 =	sadd.s32 s3, s9;
	s6 =	sadd.s32 @!p0 $0x88, s6;
	s7 =	simm.s32 @p2 $0x1082  }
0x22: {  	[simem:s7], [sflag:s8] =	dma.local @!p0 [hbm:s6], $0xF7A  }
0x23: {  	s9 =	sor.u32 $0xD0000000, s2;
	s6 =	simm.s32 $0x108;
	_ =	swait.ge @!p0 [sflag:s8], $0x0  }
0x24: {  	s3 =	sadd.s32 $0x88, s3;
	s6 =	simm.s32 @!p1 $0x1082;
	[sflag:s4] =	ssyncset.s32 $0xFFFFF086  }
0x25: {  	[simem:s6], [sflag:s4] =	dma.local [hbm:s3], $0xF7A  }
0x26: {  	[smem:$0x3F9D] =	sst s1;
	(tag) =	ssettag s2;
	_ =	strace s9  }
0x27: {  	s1 =	sld [smem:$0x3FAD]  }
0x28: {  	s2 =	sld [smem:$0x3FAE]  }
0x29: {  	s4 =	sld [smem:$0x3FB0]  }
0x2a: {  	p0 =	seq.s32 s5, $0x0;
	s5 =	sld [smem:$0x3FB1]  }
0x2b: {  	s6 =	sld [smem:$0x3FB2]  }
0x2c: {  	s7 =	sld [smem:$0x3FB3]  }
0x2d: {  	s3 =	simm.s32 $0x108;
	s8 =	sld [smem:$0x3FB4]  }
0x2e: {  	s3 =	simm.s32 @!p0 $0x1082;
	s9 =	sld [smem:$0x3FB5]  }
0x2f: {  	lr =	sadd.s32 s0, s3;
	s0 =	sld [smem:$0x3FAC]  }
0x30: {  	s3 =	sld [smem:$0x3FAF]  }
0x31: {  	[smem:$0x3FB8] =	sst s10  }
0x32: {  	s10 =	sld [smem:$0x3FB6];
	_ =	sdelay $0x3  }
0x33: {  	p0 =	seq.s32 s10, $0x1;
	s10 =	sld [smem:$0x3FB8];
	_ =	sdelay $0x3  }
0x34: {  	[smem:$0x3FB8] =	sst s10  }
0x35: {  	s10 =	sld [smem:$0x3FB7];
	_ =	sdelay $0x3  }
0x36: {  	p1 =	seq.s32 s10, $0x1;
	s10 =	sld [smem:$0x3FB8];
	_ =	sdelay $0x3  }
0x37: {  	[smem:$0x3FB8] =	sst s10  }
0x38: {  	s10 =	sld [smem:$0x3FB9]  }
0x39: {  	_ = 	snop;
	(pc) =	sbr.ind lr, $3  }
0x3a: {  	_ = 	snop  }
0x3b: {  	_ = 	snop  }
0x3c: {  	p2 =	seq.s32 s10, $0x1;
	s10 =	sld [smem:$0x3FB8]  }
0x3d: {  	_ =	shalt  }
0x3e: {  	_ =	shalt  }
0x3f: {  	_ =	shalt  }
0x40: {  	_ =	shalt  }
0x41: {  	_ =	shalt  }
0x42: {  	_ =	shalt  }
0x43: {  	_ =	shalt  }
0x44: {  	_ =	shalt  }
0x45: {  	_ =	shalt  }
0x46: {  	_ =	shalt  }
0x47: {  	_ =	shalt  }
0x48: {  	_ =	shalt  }
0x49: {  	_ =	shalt  }
0x4a: {  	_ =	shalt  }
0x4b: {  	_ =	shalt  }
0x4c: {  	_ =	shalt  }
0x4d: {  	_ =	shalt  }
0x4e: {  	_ =	shalt  }
0x4f: {  	_ =	shalt  }
0x50: {  	_ =	shalt  }
0x51: {  	_ =	shalt  }
0x52: {  	_ =	shalt  }
0x53: {  	_ =	shalt  }
0x54: {  	_ =	shalt  }
0x55: {  	_ =	shalt  }
0x56: {  	_ =	shalt  }
0x57: {  	_ =	shalt  }
0x58: {  	_ =	shalt  }
0x59: {  	_ =	shalt  }
0x5a: {  	_ =	shalt  }
0x5b: {  	_ =	shalt  }
0x5c: {  	_ =	shalt  }
0x5d: {  	_ =	shalt  }
0x5e: {  	_ =	shalt  }
0x5f: {  	_ =	shalt  }
0x60: {  	_ =	shalt  }
0x61: {  	_ =	shalt  }
0x62: {  	_ =	shalt  }
0x63: {  	_ =	shalt  }
0x64: {  	_ =	shalt  }
0x65: {  	_ =	shalt  }
0x66: {  	_ =	shalt  }
0x67: {  	_ =	shalt  }
0x68: {  	_ =	shalt  }
0x69: {  	_ =	shalt  }
0x6a: {  	_ =	shalt  }
0x6b: {  	_ =	shalt  }
0x6c: {  	_ =	shalt  }
0x6d: {  	_ =	shalt  }
0x6e: {  	_ =	shalt  }
0x6f: {  	_ =	shalt  }
0x70: {  	_ =	shalt  }
0x71: {  	_ =	shalt  }
0x72: {  	_ =	shalt  }
0x73: {  	_ =	shalt  }
0x74: {  	_ =	shalt  }
0x75: {  	_ =	shalt  }
0x76: {  	_ =	shalt  }
0x77: {  	_ =	shalt  }
0x78: {  	_ =	shalt  }
0x79: {  	_ =	shalt  }
0x7a: {  	_ =	shalt  }
0x7b: {  	_ =	shalt  }
0x7c: {  	_ =	shalt  }
0x7d: {  	_ =	shalt  }
0x7e: {  	_ =	shalt  }
0x7f: {  	_ =	shalt  }
0x80: {  	_ =	shalt  }
0x81: {  	_ =	shalt  }
0x82: {  	_ =	shalt  }
0x83: {  	_ =	shalt  }
0x84: {  	_ =	shalt  }
0x85: {  	_ =	shalt  }
0x86: {  	_ =	shalt  }
0x87: {  	_ =	shalt  }
.Lfunc_end0:
.L_simem_size_0:
called_computation_lowered:
.L_overlay_start_0:
0x88: {  	s0 =	sld [smem:$0x3FD9]  }
0x89: {  	s1 =	sld [smem:$0x3FFE];
	_ =	sdelay $0x3  }
0x8a: {  	s0 =	sadd.s32 s1, s0  }
0x8b: {  	[smem:$0x3FC4] =	sst s0  }
0x8c: {  	_ = 	snop  }
0x8d: {  	s0 =	sld [smem:$0x3FC8]  }
0x8e: {  	s16 =	sld [smem:$0x3FC7]  }
0x8f: {  	s2 =	sld [smem:$0x3FD0];
	(tm) =	ssettm $0x1  }
0x90: {  	s3 =	sld [smem:$0x3FFB];
	_ =	sdelay $0x3  }
0x91: {  	_ =	strace s3  }
0x92: {  	s3 =	sld [smem:$0x3FFC];
	_ =	sdelay $0x3  }
0x93: {  	_ =	strace s3  }
0x94: {  	s3 =	sld [smem:$0x3FFD];
	_ =	sdelay $0x3  }
0x95: {  	_ =	strace s3  }
0x96: {  	_ =	strace $0x8FFFFFFF  }
0x97: {  	s17 =	sld [smem:$0x3FDB];
	_ =	sdelay $0x1  }
0x98: {  	s4 =	simm.s32 $_scs_section_size  }
0x99: {  	s5 =	simm.s32 $_size__tile_overlayer_lowered;
	s6 =	simm.s32 $_tile_overlayer_lowered  }
0x9a: {  	s20 =	simm.s32 $0x1BFF;
	s19 =	sshll.u32 s6, $0x1;
	s3 =	sadd.s32 s4, s17  }
0x9b: {  	s7 =	simm.s32 $0x0;
	s18 =	sshll.u32 s5, $0x1;
	s5 =	sadd.s32 s19, s3  }
0x9c: {  	[timem:s7], [sflag:s20] =	dma.local [hbm:s5], s18  }
0x9d: {  	_ =	swait.ge [sflag:s20], s18  }
0x9e: {  	s4 =	ssub.s32 $0x0, s18;
	[sflag:s20] =	ssyncset.done $0x0  }
0x9f: {  	[sflag:s20] =	ssyncadd.s32 s4;
	_ =	sdelay $0x1  }
0xa0: {  	s21 =	simm.s32 $0x1B8B  }
0xa1: {  	_ =	swait.ge [sflag:s21], $0x1  }
0xa2: {  	[sflag:s21] =	ssyncset.done $0x0  }
0xa3: {  	s23 =	simm.s32 $0x1B8E;
	s22 =	sld [smem:$0x3FFE];
	[sflag:s21] =	ssyncadd.s32 $0xFFFFFFFF  }
0xa4: {  	s24 =	simm.s32 $execute0_lowered;
	[smem:$0x3FD2] =	sst s23  }
0xa5: {  	s5 =	sshll.u32 s24, $0x1;
	_ =	strace $0x80000046;
	[dreg:$0x1] =	wrdreg $0xFFFFFFFF  }
0xa6: {  	s25 =	simm.s32 $_size_execute0_lowered;
	s3 =	sadd.s32 s3, s5;
	[dreg:$0x0] =	wrdreg $0x0  }
0xa7: {  	s5 =	sshll.u32 s25, $0x1;
	[dreg:$0x2] =	wrdreg s3  }
0xa8: {  	[dreg:$0x3] =	wrdreg s5  }
0xa9: {  	[dreg:$0x4] =	wrdreg $0xC0  }
0xaa: {  	_ =	task [dreg:s7], $0x5FFFF  }
0xab: {  	[dreg:$0x1] =	wrdreg $0xFFFFFFFF  }
0xac: {  	[dreg:$0x0] =	wrdreg $0x60  }
0xad: {  	[dreg:$0x2] =	wrdreg s22  }
0xae: {  	[dreg:$0x3] =	wrdreg s16  }
0xaf: {  	[dreg:$0x4] =	wrdreg s0  }
0xb0: {  	[dreg:$0x5] =	wrdreg s2  }
0xb1: {  	[dreg:$0x6] =	wrdreg $0xB000  }
0xb2: {  	[dreg:$0x7] =	wrdreg $0x9  }
0xb3: {  	_ =	task.clear_ibuf [dreg:s7], $0x8FFFF;
	_ =	strace $0x90000046  }
0xb4: {  	s26 =	simm.s32 $0x9;
	_ =	strace $0x80000048  }
0xb5: {  	_ =	swait.ge [sflag:s26], $0x1  }
0xb6: {  	[sflag:s26] =	ssyncadd.s32 $0xFFFFFFFF  }
0xb7: {  	_ =	strace $0x90000048  }
0xb8: {  	_ =	sfence  }
0xb9: {  	s28 =	sld [smem:$0x0];
	_ =	sdelay $0x1  }
0xba: {  	s29 =	srdreg.scid  }
0xbb: {  	s30 =	sshll.u32 s29, $0xD;
	s31 =	sshrl.u32 s29, $0x2  }
0xbc: {  	s1 =	sand.u32 $0x1, s29;
	s2 =	sand.u32 $0x4000, s30;
	s0 =	sadd.s32 s31, s28  }
0xbd: {  	s1 =	sor.u32 s2, s1;
	s0 =	sshll.u32 s0, $0x11  }
0xbe: {  	s0 =	sor.u32 s0, s1  }
0xbf: {  	s0 =	sadd.s32 $0x8F2B, s0  }
0xc0: {  	[sflag:s0] =	ssyncadd.remote.s32 $0x1  }
0xc1: {  	_ =	sfence.sel $0xFFFF  }
0xc2: {  	[dreg:$0x0] =	wrdreg $0xFFFFFFFF;
	(pc) =	sbr.abs _section_cstart, $3  }
0xc3: {  	[dreg:$0x1] =	wrdreg $0xFFFFFFFF  }
0xc4: {  	_ =	task.clear_ibuf [dreg:s7], $0x2FFFF;
	_ =	strace $0x9FFFFFFF  }
0xc5: {  	(tm) =	ssettm $0x7FFFFFFF  }
tec
execute0_lowered:
.L_overlay_start_1:
0x0: {  	(tag) =	ssettag $0x1  }
0x1: {  	s3 =	rddreg [dreg:$0x0]  }
0x2: {  	s5 =	rddreg [dreg:$0x1]  }
0x3: {  	s6 =	rddreg [dreg:$0x2]  }
0x4: {  	s1 =	rddreg [dreg:$0x3];
	s7 =	stileid.u32  }
0x5: {  	s2 =	rddreg [dreg:$0x4];
	s4 =	simm.s32 $0x0;
	p0 =	sne.s32 s7, $0x0  }
0x6: {  	[smem:$0x7FF] =	sst s4;
	v0 =	vimm.f32 @!p0 $0.0e+00  }
0x7: {  	s0 =	rddreg [dreg:$0x5];
	_ =	strace $0x80000047;
	s8 =	simm.s32 @!p0 $0xA00;
	[tilespmem:$0xA00] =	vst @!p0 v0  }
0x8: {  	[spmem:s2] =	stream.linear.scatter @!p0 [tilespmem:s8], [sflag:$0x2], $0x80, $0x38;
	[tilespmem:$0xB08] =	vst v63  }
0x9: {  	s8 =	simm.s32 @!p0 $0x2  }
0xa: {  	_ =	swait.ge @!p0 [sflag:s8], $0x80  }
0xb: {  	[sflag:s8] =	ssyncset.done @!p0 $0x0  }
0xc: {  	s7 =	sshll.u32 s7, $0x5;
	[sflag:s8] =	ssyncadd.s32 @!p0 $0xFFFFFF80  }
0xd: {  	s29 =	simm.s32 $0x2;
	s5 =	sadd.s32 s5, s7;
	[bflag:$0x0] =	sbarrier.arrive $0xFFFF  }
0xe: {  	[tilespmem:s4], [sflag:$0x2] =	stream.linear.gather [hbm4b:s5+s4], $0x100, $0x38;
	[tilespmem:$0xB08] =	vst v63  }
0xf: {  	_ =	swait.ge [sflag:s29], $0x100  }
0x10: {  	s30 =	sadd.s32 s7, s3;
	[sflag:s29] =	ssyncset.done $0x0  }
0x11: {  	s10 =	simm.s32 $0x100;
	s9 =	sadd.s32 $0x20400, s30;
	[sflag:s29] =	ssyncadd.s32 $0xFFFFFF00  }
0x12: {  	[tilespmem:s10], [sflag:$0x2] =	stream.linear.gather [hbm4b:s9+s4], $0x100, $0x38;
	[tilespmem:$0xB08] =	vst v63  }
0x13: {  	_ =	swait.ge [sflag:s29], $0x100  }
0x14: {  	s11 =	simm.s32 $0x80;
	[sflag:s29] =	ssyncset.done $0x0  }
0x15: {  	s12 =	simm.s32 $0x500;
	s31 =	sadd.s32 $0x1600, s3;
	[sflag:s29] =	ssyncadd.s32 $0xFFFFFF00  }
0x16: {  	[tilespmem:s12], [sflag:$0x1] =	stream.indirect.gather [hbm4b:s31+s11], $0x1, s4, s11, $0xb8;
	[tilespmem:$0xB08] =	vst v63  }
0x17: {  	s13 =	simm.s32 $0x580  }
0x18: {  	[tilespmem:s13], [sflag:$0x1] =	stream.indirect.gather [hbm4b:s31+s11], $0x1, s11, s11, $0xb8;
	[tilespmem:$0xB08] =	vst v63  }
0x19: {  	s15 =	simm.s32 $0x600;
	s14 =	sadd.s32 $0x20600, s3  }
0x1a: {  	[tilespmem:s15], [sflag:$0x1] =	stream.indirect.gather [hbm4b:s14+s11], $0x1, s10, s11, $0xb8;
	[tilespmem:$0xB08] =	vst v63  }
0x1b: {  	s16 =	simm.s32 $0x180;
	s13 =	simm.s32 $0x680  }
0x1c: {  	[tilespmem:s13], [sflag:$0x1] =	stream.indirect.gather [hbm4b:s14+s11], $0x1, s16, s11, $0xb8;
	[tilespmem:$0xB08] =	vst v63  }
0x1d: {  	s18 =	simm.s32 $0x700;
	s17 =	sadd.s32 $0x20200, s3  }
0x1e: {  	[tilespmem:s18], [sflag:$0x1] =	stream.indirect.gather [hbm4b:s17+s11], $0x1, s10, s11, $0xb8;
	[tilespmem:$0xB08] =	vst v63  }
0x1f: {  	s19 =	simm.s32 $0x780  }
0x20: {  	[tilespmem:s19], [sflag:$0x1] =	stream.indirect.gather [hbm4b:s17+s11], $0x1, s16, s11, $0xb8;
	[tilespmem:$0xB08] =	vst v63  }
0x21: {  	s20 =	simm.s32 $0x200;
	s6 =	sadd.s32 s6, s7  }
0x22: {  	[tilespmem:s20], [sflag:$0x2] =	stream.linear.gather [hbm4b:s6+s4], $0x100, $0x38;
	[tilespmem:$0xB08] =	vst v63  }
0x23: {  	_ =	swait.ge [sflag:s29], $0x100  }
0x24: {  	[sflag:s29] =	ssyncset.done $0x0  }
0x25: {  	s22 =	simm.s32 $0x300;
	s21 =	sadd.s32 $0x20000, s30;
	[sflag:s29] =	ssyncadd.s32 $0xFFFFFF00  }
0x26: {  	[tilespmem:s22], [sflag:$0x2] =	stream.linear.gather [hbm4b:s21+s4], $0x100, $0x38;
	[tilespmem:$0xB08] =	vst v63  }
0x27: {  	_ =	swait.ge [sflag:s29], $0x100  }
0x28: {  	[sflag:s29] =	ssyncset.done $0x0  }
0x29: {  	s24 =	simm.s32 $0x400;
	s23 =	sadd.s32 s17, s7;
	[sflag:s29] =	ssyncadd.s32 $0xFFFFFF00  }
0x2a: {  	[tilespmem:s24], [sflag:$0x2] =	stream.linear.gather [hbm4b:s23+s4], $0x100, $0x38;
	[tilespmem:$0xB08] =	vst v63  }
0x2b: {  	_ =	swait.ge [sflag:s29], $0x100  }
0x2c: {  	[sflag:s29] =	ssyncset.done $0x0  }
0x2d: {  	s26 =	simm.s32 $0x800;
	s25 =	sadd.s32 $0x20800, s3;
	[sflag:s29] =	ssyncadd.s32 $0xFFFFFF00  }
0x2e: {  	[tilespmem:s26], [sflag:$0x2] =	stream.linear.gather [hbm4b:s25+s4], $0x80, $0x38;
	[tilespmem:$0xB08] =	vst v63  }
0x2f: {  	_ =	swait.ge [sflag:s29], $0x80  }
0x30: {  	[sflag:s29] =	ssyncset.done $0x0  }
0x31: {  	s28 =	simm.s32 $0x880;
	s3 =	sadd.s32 $0x20A00, s3;
	[sflag:s29] =	ssyncadd.s32 $0xFFFFFF80  }
0x32: {  	[tilespmem:s28], [sflag:$0x2] =	stream.linear.gather [hbm4b:s3+s4], $0x80, $0x38;
	[tilespmem:$0xB08] =	vst v63  }
0x33: {  	_ =	swait.ge [sflag:s29], $0x80  }
0x34: {  	[sflag:s29] =	ssyncset.done $0x0  }
0x35: {  	[sflag:s29] =	ssyncadd.s32 $0xFFFFFF80;
	s29 =	simm.s32 $0x1  }
0x36: {  	_ =	swait.ge [sflag:s29], $0x80  }
0x37: {  	[sflag:s29] =	ssyncset.done $0x0  }
0x38: {  	[sflag:s29] =	ssyncadd.s32 $0xFFFFFF80  }
0x39: {  	_ =	swait.ge [sflag:s29], $0x80  }
0x3a: {  	[sflag:s29] =	ssyncset.done $0x0  }
0x3b: {  	[sflag:s29] =	ssyncadd.s32 $0xFFFFFF80  }
0x3c: {  	_ =	swait.ge [sflag:s29], $0x80  }
0x3d: {  	[sflag:s29] =	ssyncset.done $0x0  }
0x3e: {  	[sflag:s29] =	ssyncadd.s32 $0xFFFFFF80  }
0x3f: {  	_ =	swait.ge [sflag:s29], $0x80  }
0x40: {  	[sflag:s29] =	ssyncset.done $0x0  }
0x41: {  	[sflag:s29] =	ssyncadd.s32 $0xFFFFFF80  }
0x42: {  	_ =	swait.ge [sflag:s29], $0x80  }
0x43: {  	[sflag:s29] =	ssyncset.done $0x0  }
0x44: {  	[sflag:s29] =	ssyncadd.s32 $0xFFFFFF80  }
0x45: {  	_ =	swait.ge [sflag:s29], $0x80  }
0x46: {  	[sflag:s29] =	ssyncset.done $0x0  }
0x47: {  	[sflag:s29] =	ssyncadd.s32 $0xFFFFFF80  }
0x48: {  	s30 =	simm.s32 $0x0;
	v0 =	vld [tilespmem:$0x880]  }
0x49: {  	v1 =	vld [tilespmem:s30+$0x400]  }
0x4a: {  	v2 =	vld [tilespmem:s30+$0x700];
	_ =	sdelay $0x3  }
0x4b: {  	s31 =	simm.s32 $0x10;
	v3 =	vsub.f32 $0.0e+00, v1  }
0x4c: {  	(erf) = vrcp.f32 v0;
	v0 =	vsub.f32 v2, v1;
	v1 =	vld [tilespmem:s31+$0x400]  }
0x4d: {  	v2 =	vmul.f32 $1.442695020e+00, v3  }
0x4e: {  	v3 =	vld [tilespmem:s31+$0x700];
	v0 =	vmul.f32 $1.442695020e+00, v0  }
0x4f: {  	s3 =	simm.s32 $0x20;
	(erf) = vpow2.f32 v2  }
0x50: {  	v4 =	vld [tilespmem:s3+$0x400];
	(erf) = vpow2.f32 v0  }
0x51: {  	v5 =	vld [tilespmem:s3+$0x700];
	v0 =	vsub.f32 $0.0e+00, v1  }
0x52: {  	v2 =	vld [tilespmem:s30+$0x500]  }
0x53: {  	v1 =	vsub.f32 v3, v1;
	v3 =	vld [tilespmem:s30+$0x600]  }
0x54: {  	v6 =	vmul.f32 $1.442695020e+00, v0  }
0x55: {  	v0 =	vpop (erf);
	v1 =	vmul.f32 $1.442695020e+00, v1  }
0x56: {  	s4 =	simm.s32 $0x30;
	(erf) = vpow2.f32 v6;
	v0 =	vmul.f32 $8.999999760e-01, v0  }
0x57: {  	v7 =	vld [tilespmem:s4+$0x400];
	(erf) = vpow2.f32 v1;
	v1 =	vsub.f32 $0.0e+00, v4;
	v4 =	vsub.f32 v5, v4  }
0x58: {  	v2 =	vmul.f32 $1.000000010e-01, v2;
	v3 =	vmul.f32 v3, v0;
	v8 =	vpop (erf)  }
0x59: {  	v10 =	vld [tilespmem:s31+$0x600];
	v1 =	vmul.f32 $1.442695020e+00, v1;
	v4 =	vmul.f32 $1.442695020e+00, v4;
	v9 =	vpop (erf)  }
0x5a: {  	v6 =	vld [tilespmem:s31+$0x500];
	v2 =	vmul.f32 v8, v2;
	v3 =	vmul.f32 v9, v3  }
0x5b: {  	v5 =	vld [tilespmem:s4+$0x700];
	(erf) = vpow2.f32 v1  }
0x5c: {  	(erf) = vpow2.f32 v4;
	v4 =	vsub.f32 $0.0e+00, v7;
	v2 =	vadd.f32 v3, v2;
	_ =	sdelay $0x1  }
0x5d: {  	s5 =	simm.s32 $0x40;
	(erf) = vrcp.f32 v2  }
0x5e: {  	v3 =	vld [tilespmem:s5+$0x400];
	v8 =	vpop (erf);
	v2 =	vmul.f32 $1.000000010e-01, v6;
	v6 =	vmul.f32 v10, v0  }
0x5f: {  	v5 =	vsub.f32 v5, v7;
	v7 =	vld [tilespmem:s5+$0x700];
	v10 =	vmul.f32 $1.442695020e+00, v4;
	v4 =	vpop (erf)  }
0x60: {  	v2 =	vmul.f32 v8, v2;
	v6 =	vmul.f32 v4, v6  }
0x61: {  	v9 =	vld [tilespmem:s3+$0x600];
	v5 =	vmul.f32 $1.442695020e+00, v5  }
0x62: {  	v1 =	vld [tilespmem:s3+$0x500];
	(erf) = vpow2.f32 v10;
	v2 =	vadd.f32 v6, v2  }
0x63: {  	v13 =	vld [tilespmem:s30+$0x200];
	(erf) = vpow2.f32 v5;
	v6 =	vsub.f32 $0.0e+00, v3  }
0x64: {  	v4 =	vld [tilespmem:s30+$0x300];
	v3 =	vsub.f32 v7, v3;
	v12 =	vpop (erf);
	(erf) = vrcp.f32 v2  }
0x65: {  	s6 =	simm.s32 $0x50;
	v8 =	vld [tilespmem:s4+$0x500];
	v14 =	vmul.f32 $1.442695020e+00, v6  }
0x66: {  	v9 =	vmul.f32 v9, v0;
	v5 =	vld [tilespmem:s6+$0x400]  }
0x67: {  	v11 =	vmul.f32 $1.000000010e-01, v1;
	v7 =	vld [tilespmem:s6+$0x700];
	(erf) = vpow2.f32 v14  }
0x68: {  	v6 =	vld [tilespmem:s4+$0x600];
	v10 =	vmul.f32 $1.442695020e+00, v3;
	v3 =	vpop (erf)  }
0x69: {  	v11 =	vmul.f32 v12, v11;
	v2 =	vld [tilespmem:s31+$0x200];
	v12 =	vmul.f32 v3, v9  }
0x6a: {  	s8 =	simm.s32 $0x180;
	vm0 =	veq.s32 v13, $0x1;
	v1 =	vimm.f32 $0.0e+00;
	v3 =	vld [tilespmem:s31+$0x300];
	v9 =	vpop (erf)  }
.LBB2_1:
0x6b: {  	v13 =	vld [tilespmem:s5+$0x500];
	(erf) = vpow2.f32 v10;
	v10 =	vadd.f32 v12, v11;
	v4 =	vmul.f32 v9, v4;
	s7 =	smov.u32 s6;
	s6 =	sshra.s32 s8, $0x2;
	p1 =	sne.s32 s8, $0x3C0  }
.Ltmp0:
0x6c: {  	v9 =	vsub.f32 $0.0e+00, v5;
	v8 =	vmul.f32 $1.000000010e-01, v8;
	v11 =	vsub.f32 v7, v5;
	v5 =	vld [tilespmem:s6+$0x400];
	(pc) =	sbr.rel @p1 .LBB2_1-.Ltmp0, $4  }
0x6d: {  	s8 =	sadd.s32 $0x40, s8;
	v7 =	vld [tilespmem:s6+$0x700];
	v12 =	vmul.f32 v6, v0;
	v14 =	vpop (erf);
	(erf) = vrcp.f32 v10;
	v16 =	vnsel vm0, $0x0, v4  }
0x6e: {  	v17 =	vmul.f32 $1.442695020e+00, v9;
	v10 =	vmul.f32 $1.442695020e+00, v11;
	v6 =	vld [tilespmem:s5+$0x600];
	v15 =	vpop (erf);
	v1 =	vadd.f32 v16, v1  }
0x6f: {  	v11 =	vmul.f32 v14, v8;
	v14 =	vmovc v2;
	v12 =	vmul.f32 v15, v12;
	v2 =	vld [tilespmem:s3+$0x200];
	v4 =	vmov v3  }
0x70: {  	vm0 =	veq.s32 v14, $0x1;
	(erf) = vpow2.f32 v17;
	v3 =	vld [tilespmem:s3+$0x300];
	v9 =	vpop (erf);
	v8 =	vmov v13;
	s3 =	smov.u32 s4;
	s4 =	smov.u32 s5;
	s5 =	smov.u32 s7  }
0x71: {  	v13 =	vsub.f32 $0.0e+00, v5  }
0x72: {  	v11 =	vadd.f32 v12, v11;
	v33 =	vsub.f32 v7, v5  }
0x73: {  	(erf) = vpow2.f32 v10;
	v34 =	vmul.f32 $1.442695020e+00, v13  }
0x74: {  	(erf) = vrcp.f32 v11;
	v5 =	vmul.f32 $1.442695020e+00, v33  }
0x75: {  	v35 =	vld [tilespmem:s5+$0x500];
	(erf) = vpow2.f32 v34  }
0x76: {  	v36 =	vld [tilespmem:s5+$0x600];
	(erf) = vpow2.f32 v5  }
0x77: {  	v38 =	vld [tilespmem:s6+$0x500]  }
0x78: {  	v37 =	vpop (erf);
	v40 =	vld [tilespmem:s6+$0x600]  }
0x79: {  	v8 =	vmul.f32 $1.000000010e-01, v8;
	v6 =	vmul.f32 v6, v0;
	v39 =	vpop (erf)  }
0x7a: {  	v14 =	vpop (erf)  }
0x7b: {  	v6 =	vmul.f32 v39, v6;
	v5 =	vmul.f32 v37, v8;
	v42 =	vpop (erf)  }
0x7c: {  	v41 =	vmul.f32 $1.000000010e-01, v35;
	v7 =	vmul.f32 v36, v0;
	v43 =	vpop (erf)  }
0x7d: {  	v46 =	vmul.f32 $1.000000010e-01, v38;
	v47 =	vmul.f32 v40, v0;
	v5 =	vadd.f32 v6, v5;
	v45 =	vpop (erf)  }
0x7e: {  	v44 =	vmul.f32 v42, v41;
	v7 =	vmul.f32 v43, v7;
	v48 =	vpop (erf)  }
0x7f: {  	(erf) = vrcp.f32 v5;
	v49 =	vpop (erf)  }
0x80: {  	v6 =	vadd.f32 v7, v44;
	v50 =	vmul.f32 v48, v46;
	v0 =	vmul.f32 v49, v47;
	_ =	sdelay $0x1  }
0x81: {  	(erf) = vrcp.f32 v6;
	v0 =	vadd.f32 v0, v50  }
0x82: {  	v51 =	vld [tilespmem:s3+$0x300]  }
0x83: {  	v4 =	vmul.f32 v9, v4;
	v52 =	vld [tilespmem:s3+$0x200];
	(erf) = vrcp.f32 v0  }
0x84: {  	v53 =	vld [tilespmem:s4+$0x300]  }
0x85: {  	v54 =	vld [tilespmem:s4+$0x200];
	v4 =	vnsel vm0, $0x0, v4;
	v3 =	vmul.f32 v14, v3  }
0x86: {  	v55 =	vld [tilespmem:s5+$0x300];
	v1 =	vadd.f32 v4, v1;
	vm11 =	veq.s32 v2, $0x1  }
0x87: {  	v57 =	vld [tilespmem:s5+$0x200];
	v3 =	vnsel vm11, $0x0, v3;
	v56 =	vmul.f32 v45, v51  }
0x88: {  	v59 =	vld [tilespmem:s6+$0x300];
	vm12 =	veq.s32 v52, $0x1;
	v1 =	vadd.f32 v3, v1;
	v58 =	vpop (erf)  }
0x89: {  	v60 =	vld [tilespmem:s6+$0x200];
	v4 =	vnsel vm12, $0x0, v56;
	v0 =	vmul.f32 v58, v53  }
0x8a: {  	vm13 =	veq.s32 v54, $0x1;
	v1 =	vadd.f32 v4, v1;
	v61 =	vpop (erf)  }
0x8b: {  	v0 =	vnsel vm13, $0x0, v0;
	v2 =	vmul.f32 v61, v55  }
0x8c: {  	vm14 =	veq.s32 v57, $0x1;
	v0 =	vadd.f32 v0, v1;
	v62 =	vpop (erf)  }
0x8d: {  	v2 =	vnsel vm14, $0x0, v2;
	v1 =	vmul.f32 v62, v59  }
0x8e: {  	vm15 =	veq.s32 v60, $0x1;
	v0 =	vadd.f32 v2, v0  }
0x8f: {  	v1 =	vnsel vm15, $0x0, v1  }
0x90: {  	v63 =	vimm.s32 $0x0;
	v0 =	vadd.f32 v1, v0  }
0x91: {  	s28 =	simm.s32 $0x10;
	[tilespmem:$0x980] =	vst v63  }
0x92: {  	s29 =	simm.s32 $0x980;
	s30 =	simm.s32 $0x900;
	s31 =	simm.s32 $0x2;
	[tilespmem:$0x900] =	vst v0  }
0x93: {  	[spmem:s2] =	stream.indirect.scatter.add.f32 [tilespmem:s30], [sflag:$0x2], $0x1, s29, s28, $0xb8;
	[tilespmem:$0xB08] =	vst v63  }
0x94: {  	_ =	swait.ge [sflag:s31], $0x10  }
0x95: {  	[sflag:s31] =	ssyncset.done $0x0  }
0x96: {  	[sflag:s31] =	ssyncadd.s32 $0xFFFFFFF0  }
0x97: {  	[bflag:$0x0] =	sbarrier.arrive $0xFFFF  }
0x98: {  	_ =	sfence.sel @p0 $0x180000  }
0x99: {  	[bflag:$0x0] =	sbarrier.arrive @p0 $0xFFFF  }
0x9a: {  	_ =	strace @p0 $0x90000047  }
0x9b: {  	s3 =	simm.s32 @!p0 $0xA00;
	[bflag:$0x2] =	sbarrier.arrive @p0 $0xFFFF  }
0x9c: {  	[tilespmem:s3], [sflag:$0x2] =	stream.linear.gather @!p0 [spmem:s2], $0x80, $0x38;
	[tilespmem:$0xB08] =	vst v63  }
0x9d: {  	s2 =	simm.s32 @!p0 $0x2  }
0x9e: {  	_ =	swait.ge @!p0 [sflag:s2], $0x80  }
0x9f: {  	[sflag:s2] =	ssyncset.done @!p0 $0x0  }
0xa0: {  	[sflag:s2] =	ssyncadd.s32 @!p0 $0xFFFFFF80  }
0xa1: {  	v0 =	vld @!p0 [tilespmem:$0x800]  }
0xa2: {  	v1 =	vld @!p0 [tilespmem:$0x880];
	_ =	sdelay $0x4  }
0xa3: {  	v0 =	vmul.f32 @!p0 v1, v0;
	_ =	sdelay $0x1  }
0xa4: {  	(erf) = vrcp.f32 @!p0 v0;
	_ =	sdelay $0x4  }
0xa5: {  	v0 =	vld @!p0 [tilespmem:$0xA00];
	_ =	sdelay $0x3  }
0xa6: {  	v1 =	vpop @!p0 (erf)  }
0xa7: {  	v0 =	vmul.f32 @!p0 v1, v0;
	_ =	sdelay $0x1  }
0xa8: {  	s4 =	simm.s32 @!p0 $0xA80;
	s3 =	simm.s32 @!p0 $0x0;
	[tilespmem:$0xA80] =	vst @!p0 v0  }
0xa9: {  	[hbm4b:s1+s3] =	stream.linear.scatter @!p0 [tilespmem:s4], [sflag:$0x2], $0x80, $0x38;
	[tilespmem:$0xB08] =	vst v63  }
0xaa: {  	_ =	swait.ge @!p0 [sflag:s2], $0x80  }
0xab: {  	[sflag:s2] =	ssyncset.done @!p0 $0x0  }
0xac: {  	[sflag:s2] =	ssyncadd.s32 @!p0 $0xFFFFFF80  }
0xad: {  	_ =	sfence.sel @!p0 $0x180000  }
0xae: {  	[bflag:$0x0] =	sbarrier.arrive @!p0 $0xFFFF  }
0xaf: {  	_ =	strace @!p0 $0x90000047  }
0xb0: {  	s0 =	sadd.s32 @!p0 $0x100000, s0;
	[bflag:$0x2] =	sbarrier.arrive @!p0 $0xFFFF  }
0xb1: {  	[sflag:s0] =	ssyncadd.tile.s32 @!p0 $0x1;
	_ =	shalt  }
.Lfunc_end2:
_tile_overlayer_lowered:
.L_overlay_start_2:
0xb2: {  	(tag) =	ssettag $0x2  }
0xb3: {  	s0 =	rddreg [dreg:$0x0];
	s2 =	stileid.u32  }
0xb4: {  	s1 =	rddreg [dreg:$0x1];
	p0 =	sne.s32 s2, $0x0  }
0xb5: {  	s3 =	rddreg [dreg:$0x2];
	[bflag:$0x3] =	sbarrier.arrive $0xFFFF;
	s2 =	simm.s32 @!p0 $0x1C02  }
0xb6: {  	[timem:s3], [sflag:s2] =	dma.local @!p0 [hbm:s0], s1  }
0xb7: {  	s0 =	simm.s32 @!p0 $0x2  }
0xb8: {  	_ =	swait.ge @!p0 [sflag:s0], s1  }
0xb9: {  	s1 =	ssub.s32 @!p0 $0x0, s1;
	[sflag:s0] =	ssyncset.done @!p0 $0x0  }
0xba: {  	[sflag:s0] =	ssyncadd.s32 @!p0 s1  }
0xbb: {  	[bflag:$0x3] =	sbarrier.arrive $0xFFFF  }
0xbc: {  	_ =	shalt  }

</sc_bundles>
